<compile_context>
chip_gen: v7x
topology: tpu7x:2x2x1
jax: 0.10.2.dev20260603
libtpu: 0.0.44.dev20260713+nightly
codegen_flags: <defaults>
</compile_context>

<pallas_src>
import functools

import jax
import jax.numpy as jnp
from jax import lax
from jax.experimental import pallas as pl
from jax.experimental.pallas import tpu as pltpu
from jax.experimental.pallas import tpu_sc as plsc

N_NODES = 10000
N_EDGES = 320000
DN = 128
DE = 16
DG = 16

NC = 2
NS = 16
NW = NC * NS
EPT = N_EDGES // NW
CHUNK = 80
NCHUNK = EPT // CHUNK
N_PAD = 10240
HALF = N_PAD // 2

F32 = jnp.float32


def _dot(a, b):
    return jnp.dot(a, b, preferred_element_type=F32)


def _ab_body(x_ref, w1s_ref, w1d_ref, w1u_ref, be1_ref, u_ref, a_ref, b_ref):
    ub = _dot(u_ref[...], w1u_ref[...]) + be1_ref[...]
    a_ref[...] = _dot(x_ref[...], w1s_ref[...]) + ub
    b_ref[...] = _dot(x_ref[...], w1d_ref[...])


def _make_tables(x, w1s, w1d, w1u, be1, u):
    blk = 2000
    grid = (N_NODES // blk,)
    return pl.pallas_call(
        _ab_body,
        grid=grid,
        in_specs=[
            pl.BlockSpec((blk, DN), lambda i: (i, 0)),
            pl.BlockSpec((DN, DN), lambda i: (0, 0)),
            pl.BlockSpec((DN, DN), lambda i: (0, 0)),
            pl.BlockSpec((DG, DN), lambda i: (0, 0)),
            pl.BlockSpec((1, DN), lambda i: (0, 0)),
            pl.BlockSpec((1, DG), lambda i: (0, 0)),
        ],
        out_specs=[
            pl.BlockSpec((blk, DN), lambda i: (i, 0)),
            pl.BlockSpec((blk, DN), lambda i: (i, 0)),
        ],
        out_shape=[
            jax.ShapeDtypeStruct((N_NODES, DN), F32),
            jax.ShapeDtypeStruct((N_NODES, DN), F32),
        ],
    )(x, w1s, w1d, w1u, be1, u)


def _gather_body(a_hbm, b_hbm, row_hbm, col_hbm, ga_hbm, gb_hbm,
                 ridx, cidx, ra, rb, sa, sb):
    cid = lax.axis_index("c")
    sid = lax.axis_index("s")
    wid = sid * NC + cid
    pltpu.sync_copy(row_hbm.at[wid], ridx)
    pltpu.sync_copy(col_hbm.at[wid], cidx)

    def body(g, carry):
        base = wid * EPT + g * CHUNK
        ca = pltpu.async_copy(a_hbm.at[ridx.at[g]], ra, sa)
        cb = pltpu.async_copy(b_hbm.at[cidx.at[g]], rb, sb)
        ca.wait()
        cb.wait()
        pltpu.sync_copy(ra, ga_hbm.at[pl.ds(base, CHUNK)])
        pltpu.sync_copy(rb, gb_hbm.at[pl.ds(base, CHUNK)])
        return carry

    lax.fori_loop(0, NCHUNK, body, 0)


def _gather_rows(a_tab, b_tab, row3, col3):
    mesh = plsc.VectorSubcoreMesh(core_axis_name="c", subcore_axis_name="s")
    k = functools.partial(
        pl.kernel,
        out_type=(
            jax.ShapeDtypeStruct((N_EDGES, DN), F32),
            jax.ShapeDtypeStruct((N_EDGES, DN), F32),
        ),
        mesh=mesh,
        scratch_types=[
            pltpu.VMEM((NCHUNK, CHUNK), jnp.int32),
            pltpu.VMEM((NCHUNK, CHUNK), jnp.int32),
            pltpu.VMEM((CHUNK, DN), F32),
            pltpu.VMEM((CHUNK, DN), F32),
            pltpu.SemaphoreType.DMA,
            pltpu.SemaphoreType.DMA,
        ],
    )(_gather_body)
    return k(a_tab, b_tab, row3, col3)


def _edge_body(ga_ref, gb_ref, ea_ref, w1e_ref, w2_ref, be2_ref, eo_ref):
    h = ga_ref[...] + gb_ref[...] + _dot(ea_ref[...], w1e_ref[...])
    h = jnp.maximum(h, 0.0)
    eo_ref[...] = _dot(h, w2_ref[...]) + be2_ref[...]


def _edge_mlp(ga, gb, edge_attr, w1e, w2, be2):
    blk = 4000
    grid = (N_EDGES // blk,)
    return pl.pallas_call(
        _edge_body,
        grid=grid,
        in_specs=[
            pl.BlockSpec((blk, DN), lambda i: (i, 0)),
            pl.BlockSpec((blk, DN), lambda i: (i, 0)),
            pl.BlockSpec((blk, DE), lambda i: (i, 0)),
            pl.BlockSpec((DE, DN), lambda i: (0, 0)),
            pl.BlockSpec((DN, DE), lambda i: (0, 0)),
            pl.BlockSpec((1, DE), lambda i: (0, 0)),
        ],
        out_specs=pl.BlockSpec((blk, DE), lambda i: (i, 0)),
        out_shape=jax.ShapeDtypeStruct((N_EDGES, DE), F32),
    )(ga, gb, edge_attr, w1e, w2, be2)


def _scatter_body(eo_hbm, col_hbm, zeros_hbm, out_hbm, cidx, buf, acc):
    cid = lax.axis_index("c")
    sid = lax.axis_index("s")
    wid = sid * NC + cid

    @pl.when(sid == 0)
    def _():
        pltpu.sync_copy(zeros_hbm, acc)

    plsc.subcore_barrier()

    def chunk(g, carry):
        pltpu.sync_copy(col_hbm.at[wid, g], cidx)
        pltpu.sync_copy(eo_hbm.at[wid, g], buf)
        pltpu.sync_copy(buf, acc.at[cidx], add=True)
        return carry

    lax.fori_loop(0, NCHUNK, chunk, 0)
    plsc.subcore_barrier()

    @pl.when(sid == 0)
    def _():
        pltpu.sync_copy(acc, out_hbm.at[cid])


def _segment_sum(eo4, col3, zeros2d):
    mesh = plsc.VectorSubcoreMesh(core_axis_name="c", subcore_axis_name="s")
    k = functools.partial(
        pl.kernel,
        out_type=jax.ShapeDtypeStruct((NC, N_PAD, DE), F32),
        mesh=mesh,
        scratch_types=[
            pltpu.VMEM((CHUNK,), jnp.int32),
            pltpu.VMEM((CHUNK, DE), F32),
            pltpu.VMEM_SHARED((N_PAD, DE), F32),
        ],
        compiler_params=pltpu.CompilerParams(use_tc_tiling_on_sc=False),
    )(_scatter_body)
    return k(eo4, col3, zeros2d)


def _node_body(x_ref, p_ref, wnx_ref, wna_ref, wnu_ref, bn1_ref, u_ref,
               wn2_ref, bn2_ref, xo_ref, cs_ref):
    i = pl.program_id(0)
    agg = jnp.sum(p_ref[...], axis=0)
    ub = _dot(u_ref[...], wnu_ref[...]) + bn1_ref[...]
    h = _dot(x_ref[...], wnx_ref[...]) + _dot(agg, wna_ref[...]) + ub
    h = jnp.maximum(h, 0.0)
    xo = _dot(h, wn2_ref[...]) + bn2_ref[...]
    xo_ref[...] = xo

    @pl.when(i == 0)
    def _():
        cs_ref[...] = jnp.zeros_like(cs_ref)

    cs_ref[...] += jnp.sum(xo, axis=0, keepdims=True)


def _node_mlp(x, partials, wnx, wna, wnu, bn1, u, wn2, bn2):
    blk = 2000
    grid = (N_NODES // blk,)
    return pl.pallas_call(
        _node_body,
        grid=grid,
        in_specs=[
            pl.BlockSpec((blk, DN), lambda i: (i, 0)),
            pl.BlockSpec((NC, blk, DE), lambda i: (0, i, 0)),
            pl.BlockSpec((DN, DN), lambda i: (0, 0)),
            pl.BlockSpec((DE, DN), lambda i: (0, 0)),
            pl.BlockSpec((DG, DN), lambda i: (0, 0)),
            pl.BlockSpec((1, DN), lambda i: (0, 0)),
            pl.BlockSpec((1, DG), lambda i: (0, 0)),
            pl.BlockSpec((DN, DN), lambda i: (0, 0)),
            pl.BlockSpec((1, DN), lambda i: (0, 0)),
        ],
        out_specs=[
            pl.BlockSpec((blk, DN), lambda i: (i, 0)),
            pl.BlockSpec((1, DN), lambda i: (0, 0)),
        ],
        out_shape=[
            jax.ShapeDtypeStruct((N_NODES, DN), F32),
            jax.ShapeDtypeStruct((1, DN), F32),
        ],
    )(x, partials, wnx, wna, wnu, bn1, u, wn2, bn2)


def _glob_body(cs_ref, u_ref, wgu_ref, wgm_ref, bg1_ref, wg2_ref, bg2_ref,
               go_ref):
    mean = cs_ref[...] * (1.0 / N_NODES)
    h = _dot(u_ref[...], wgu_ref[...]) + _dot(mean, wgm_ref[...]) + bg1_ref[...]
    h = jnp.maximum(h, 0.0)
    go_ref[...] = _dot(h, wg2_ref[...]) + bg2_ref[...]


def _global_mlp(colsum, u, wgu, wgm, bg1, wg2, bg2):
    return pl.pallas_call(
        _glob_body,
        out_shape=jax.ShapeDtypeStruct((1, DG), F32),
    )(colsum, u, wgu, wgm, bg1, wg2, bg2)


def kernel(x, edge_index, edge_attr, global_attr,
           We1, be1, We2, be2,
           Wn1, bn1, Wn2, bn2,
           Wg1, bg1, Wg2, bg2):
    row = edge_index[0]
    col = edge_index[1]
    row3 = row.reshape(NW, NCHUNK, CHUNK)
    col3 = col.reshape(NW, NCHUNK, CHUNK)

    w1s = We1[:DN]
    w1d = We1[DN:2 * DN]
    w1e = We1[2 * DN:2 * DN + DE]
    w1u = We1[2 * DN + DE:]
    wnx = Wn1[:DN]
    wna = Wn1[DN:DN + DE]
    wnu = Wn1[DN + DE:]
    wgu = Wg1[:DG]
    wgm = Wg1[DG:]

    be1r = be1.reshape(1, DN)
    be2r = be2.reshape(1, DE)
    bn1r = bn1.reshape(1, DN)
    bn2r = bn2.reshape(1, DN)
    bg1r = bg1.reshape(1, DN)
    bg2r = bg2.reshape(1, DG)

    a_tab, b_tab = _make_tables(x, w1s, w1d, w1u, be1r, global_attr)
    ga, gb = _gather_rows(a_tab, b_tab, row3, col3)
    edge_out = _edge_mlp(ga, gb, edge_attr, w1e, We2, be2r)
    eo4 = edge_out.reshape(NW, NCHUNK, CHUNK, DE)
    zeros2d = jnp.zeros((N_PAD, DE), F32)
    partials = _segment_sum(eo4, col3, zeros2d)
    x_out, colsum = _node_mlp(x, partials, wnx, wna, wnu, bn1r,
                              global_attr, Wn2, bn2r)
    global_out = _global_mlp(colsum, global_attr, wgu, wgm, bg1r, Wg2, bg2r)
    return (x_out, edge_out, global_out)

# --- scband reference (transcript-rebuilt; emitter-appended) ---
"""Pipeline reference for scband-graph-network-meta-layer-25598005084726 (READ-ONLY COPY).

The authoritative reference and input builder live on the scoring server;
editing this copy changes nothing except your own understanding.
"""

import jax, jax.numpy as jnp
import numpy as np

N = 10000
E = 320000
DN = 128
DE = 16
DG = 16
L = 128


def setup_inputs(seed: int = 0) -> dict:
    key = jax.random.key(seed)
    ks = jax.random.split(key, 20)

    x = jax.random.normal(ks[0], (N, DN), dtype=jnp.float32)
    edge_index = jax.random.randint(ks[1], (2, E), 0, N, dtype=jnp.int32)
    edge_attr = jax.random.normal(ks[2], (E, DE), dtype=jnp.float32)
    global_attr = jax.random.normal(ks[3], (1, DG), dtype=jnp.float32)

    def lin(k, fan_in, fan_out):
        return jax.random.normal(k, (fan_in, fan_out), dtype=jnp.float32) / jnp.sqrt(fan_in)

    # EdgeModel MLP: in = src(DN) + dst(DN) + edge(DE) + global(DG) -> L -> DE
    e_in = 2 * DN + DE + DG
    We1 = lin(ks[4], e_in, L); be1 = jnp.zeros((L,), jnp.float32)
    We2 = lin(ks[5], L, DE); be2 = jnp.zeros((DE,), jnp.float32)

    # NodeModel MLP: in = x(DN) + agg_edge(DE) + global(DG) -> L -> DN
    n_in = DN + DE + DG
    Wn1 = lin(ks[6], n_in, L); bn1 = jnp.zeros((L,), jnp.float32)
    Wn2 = lin(ks[7], L, DN); bn2 = jnp.zeros((DN,), jnp.float32)

    # GlobalModel MLP: in = global(DG) + node_mean(DN) -> L -> DG
    g_in = DG + DN
    Wg1 = lin(ks[8], g_in, L); bg1 = jnp.zeros((L,), jnp.float32)
    Wg2 = lin(ks[9], L, DG); bg2 = jnp.zeros((DG,), jnp.float32)

    return {
        "x": x, "edge_index": edge_index, "edge_attr": edge_attr, "global_attr": global_attr,
        "We1": We1, "be1": be1, "We2": We2, "be2": be2,
        "Wn1": Wn1, "bn1": bn1, "Wn2": Wn2, "bn2": bn2,
        "Wg1": Wg1, "bg1": bg1, "Wg2": Wg2, "bg2": bg2,
    }


def reference(x, edge_index, edge_attr, global_attr,
              We1, be1, We2, be2,
              Wn1, bn1, Wn2, bn2,
              Wg1, bg1, Wg2, bg2):
    row = edge_index[0]
    col = edge_index[1]

    # EdgeModel: phi_e(concat(x[row], x[col], edge_attr, u))
    src = jnp.take(x, row, axis=0)
    dst = jnp.take(x, col, axis=0)
    u_e = jnp.broadcast_to(global_attr, (edge_attr.shape[0], global_attr.shape[1]))
    e_feat = jnp.concatenate([src, dst, edge_attr, u_e], axis=1)
    e_h = jax.nn.relu(e_feat @ We1 + be1)
    edge_out = e_h @ We2 + be2  # activate_final=False

    # NodeModel: aggregate incoming edge features at dst, phi_v(concat(x, agg, u))
    agg = jax.ops.segment_sum(edge_out, col, num_segments=x.shape[0])
    u_n = jnp.broadcast_to(global_attr, (x.shape[0], global_attr.shape[1]))
    n_feat = jnp.concatenate([x, agg, u_n], axis=1)
    n_h = jax.nn.relu(n_feat @ Wn1 + bn1)
    x_out = n_h @ Wn2 + bn2

    # GlobalModel: phi_u(concat(u, mean_nodes(x_out)))
    node_mean = jnp.mean(x_out, axis=0, keepdims=True)
    g_feat = jnp.concatenate([global_attr, node_mean], axis=1)
    g_h = jax.nn.relu(g_feat @ Wg1 + bg1)
    global_out = g_h @ Wg2 + bg2

    return (x_out, edge_out, global_out)

if __name__ == "__main__":
    import jax
    _d = setup_inputs()
    print(jax.jit(kernel)(*tuple(_d.values())))

</pallas_src>

<mosaic_0001>
#map = affine_map<(d0, d1) -> (0, 0)>
#map1 = affine_map<(d0, d1) -> (0, 0, 0)>
module attributes {stable_mosaic.version = 14 : i64} {
  func.func @_gather_body(%arg0: i32, %arg1: i32, %arg2: memref<10000x128xf32, #tpu.memory_space<hbm>>, %arg3: memref<10000x128xf32, #tpu.memory_space<hbm>>, %arg4: memref<32x125x80xi32, #tpu.memory_space<hbm>>, %arg5: memref<32x125x80xi32, #tpu.memory_space<hbm>>, %arg6: memref<320000x128xf32, #tpu.memory_space<hbm>>, %arg7: memref<320000x128xf32, #tpu.memory_space<hbm>>, %arg8: memref<125x80xi32, #tpu.memory_space<vmem>>, %arg9: memref<125x80xi32, #tpu.memory_space<vmem>>, %arg10: memref<80x128xf32, #tpu.memory_space<vmem>>, %arg11: memref<80x128xf32, #tpu.memory_space<vmem>>, %arg12: memref<!tpu.dma_semaphore, #tpu.memory_space<semaphore_mem>>, %arg13: memref<!tpu.dma_semaphore, #tpu.memory_space<semaphore_mem>>) attributes {dimension_semantics = [#tpu.dimension_semantics<core_parallel>, #tpu.dimension_semantics<subcore_parallel>], iteration_bounds = array<i64: 2, 16>, scalar_prefetch = 0 : i64, scratch_operands = 6 : i64, tpu.core_type = #tpu.core_type<sc_vector_subcore>, window_params = [{transform_indices = #map}, {transform_indices = #map}, {transform_indices = #map1}, {transform_indices = #map1}, {transform_indices = #map}, {transform_indices = #map}]} {
    %mul3A = arith.constant 2 : i32
    %mul3A_0 = arith.muli %arg1, %mul3A : i32
    %add3A = arith.addi %mul3A_0, %arg0 : i32
    "tpu.region"() ({
      %run_scoped3A = tpu.sem_alloc : memref<!tpu.dma_semaphore, #tpu.memory_space<semaphore_mem>>
      %dma_start3A = arith.constant 0 : i32
      %dma_start3A_6 = arith.constant 0 : i32
      %dma_start3A_7 = tpu.memref_slice %arg4[%add3A, %dma_start3A, %dma_start3A_6] : memref<32x125x80xi32, #tpu.memory_space<hbm>> -> memref<1x125x80xi32, #tpu.memory_space<hbm>>
      %dma_start3A_8 = tpu.memref_squeeze %dma_start3A_7 : memref<1x125x80xi32, #tpu.memory_space<hbm>> -> memref<125x80xi32, #tpu.memory_space<hbm>>
      %dma_start3A_9 = arith.constant 0 : i32
      %dma_start3A_10 = arith.constant 0 : i32
      %dma_start3A_11 = tpu.memref_slice %arg4[%add3A, %dma_start3A_9, %dma_start3A_10] : memref<32x125x80xi32, #tpu.memory_space<hbm>> -> memref<1x125x80xi32, #tpu.memory_space<hbm>>
      %dma_start3A_12 = tpu.memref_squeeze %dma_start3A_11 : memref<1x125x80xi32, #tpu.memory_space<hbm>> -> memref<125x80xi32, #tpu.memory_space<hbm>>
      tpu.enqueue_dma source(%dma_start3A_12 : memref<125x80xi32, #tpu.memory_space<hbm>>) target(%arg8 : memref<125x80xi32, #tpu.memory_space<vmem>>) target_semaphore(%run_scoped3A : memref<!tpu.dma_semaphore, #tpu.memory_space<semaphore_mem>>)
      %dma_wait3A = arith.constant 0 : i32
      %dma_wait3A_13 = arith.constant 0 : i32
      %dma_wait3A_14 = tpu.memref_slice %arg4[%add3A, %dma_wait3A, %dma_wait3A_13] : memref<32x125x80xi32, #tpu.memory_space<hbm>> -> memref<1x125x80xi32, #tpu.memory_space<hbm>>
      %dma_wait3A_15 = tpu.memref_squeeze %dma_wait3A_14 : memref<1x125x80xi32, #tpu.memory_space<hbm>> -> memref<125x80xi32, #tpu.memory_space<hbm>>
      %dma_wait3A_16 = arith.constant 0 : i32
      %dma_wait3A_17 = arith.constant 0 : i32
      %dma_wait3A_18 = tpu.memref_slice %arg4[%add3A, %dma_wait3A_16, %dma_wait3A_17] : memref<32x125x80xi32, #tpu.memory_space<hbm>> -> memref<1x125x80xi32, #tpu.memory_space<hbm>>
      %dma_wait3A_19 = tpu.memref_squeeze %dma_wait3A_18 : memref<1x125x80xi32, #tpu.memory_space<hbm>> -> memref<125x80xi32, #tpu.memory_space<hbm>>
      tpu.wait_dma2 semaphore(%run_scoped3A : memref<!tpu.dma_semaphore, #tpu.memory_space<semaphore_mem>>) src(%dma_wait3A_19 : memref<125x80xi32, #tpu.memory_space<hbm>>) dst(%arg8 : memref<125x80xi32, #tpu.memory_space<vmem>>)
      tpu.yield
    }) : () -> ()
    "tpu.region"() ({
      %run_scoped3A = tpu.sem_alloc : memref<!tpu.dma_semaphore, #tpu.memory_space<semaphore_mem>>
      %dma_start3A = arith.constant 0 : i32
      %dma_start3A_6 = arith.constant 0 : i32
      %dma_start3A_7 = tpu.memref_slice %arg5[%add3A, %dma_start3A, %dma_start3A_6] : memref<32x125x80xi32, #tpu.memory_space<hbm>> -> memref<1x125x80xi32, #tpu.memory_space<hbm>>
      %dma_start3A_8 = tpu.memref_squeeze %dma_start3A_7 : memref<1x125x80xi32, #tpu.memory_space<hbm>> -> memref<125x80xi32, #tpu.memory_space<hbm>>
      %dma_start3A_9 = arith.constant 0 : i32
      %dma_start3A_10 = arith.constant 0 : i32
      %dma_start3A_11 = tpu.memref_slice %arg5[%add3A, %dma_start3A_9, %dma_start3A_10] : memref<32x125x80xi32, #tpu.memory_space<hbm>> -> memref<1x125x80xi32, #tpu.memory_space<hbm>>
      %dma_start3A_12 = tpu.memref_squeeze %dma_start3A_11 : memref<1x125x80xi32, #tpu.memory_space<hbm>> -> memref<125x80xi32, #tpu.memory_space<hbm>>
      tpu.enqueue_dma source(%dma_start3A_12 : memref<125x80xi32, #tpu.memory_space<hbm>>) target(%arg9 : memref<125x80xi32, #tpu.memory_space<vmem>>) target_semaphore(%run_scoped3A : memref<!tpu.dma_semaphore, #tpu.memory_space<semaphore_mem>>)
      %dma_wait3A = arith.constant 0 : i32
      %dma_wait3A_13 = arith.constant 0 : i32
      %dma_wait3A_14 = tpu.memref_slice %arg5[%add3A, %dma_wait3A, %dma_wait3A_13] : memref<32x125x80xi32, #tpu.memory_space<hbm>> -> memref<1x125x80xi32, #tpu.memory_space<hbm>>
      %dma_wait3A_15 = tpu.memref_squeeze %dma_wait3A_14 : memref<1x125x80xi32, #tpu.memory_space<hbm>> -> memref<125x80xi32, #tpu.memory_space<hbm>>
      %dma_wait3A_16 = arith.constant 0 : i32
      %dma_wait3A_17 = arith.constant 0 : i32
      %dma_wait3A_18 = tpu.memref_slice %arg5[%add3A, %dma_wait3A_16, %dma_wait3A_17] : memref<32x125x80xi32, #tpu.memory_space<hbm>> -> memref<1x125x80xi32, #tpu.memory_space<hbm>>
      %dma_wait3A_19 = tpu.memref_squeeze %dma_wait3A_18 : memref<1x125x80xi32, #tpu.memory_space<hbm>> -> memref<125x80xi32, #tpu.memory_space<hbm>>
      tpu.wait_dma2 semaphore(%run_scoped3A : memref<!tpu.dma_semaphore, #tpu.memory_space<semaphore_mem>>) src(%dma_wait3A_19 : memref<125x80xi32, #tpu.memory_space<hbm>>) dst(%arg9 : memref<125x80xi32, #tpu.memory_space<vmem>>)
      tpu.yield
    }) : () -> ()
    %scan3A = arith.constant 0 : i32
    %scan3A_1 = arith.constant 0 : i32
    %scan3A_2 = arith.constant 125 : i32
    %scan3A_3 = arith.addi %scan3A_1, %scan3A_2 : i32
    %scan3A_4 = arith.constant 1 : i32
    scf.for %scan3A_6 = %scan3A_1 to %scan3A_3 step %scan3A_4  : i32 {
      %mul3A_7 = arith.constant 10000 : i32
      %mul3A_8 = arith.muli %add3A, %mul3A_7 : i32
      %mul3A_9 = arith.constant 80 : i32
      %mul3A_10 = arith.muli %scan3A_6, %mul3A_9 : i32
      %add3A_11 = arith.addi %mul3A_8, %mul3A_10 : i32
      %dma_start3A = arith.constant 0 : i32
      %dma_start3A_12 = tpu.memref_slice %arg8[%scan3A_6, %dma_start3A] : memref<125x80xi32, #tpu.memory_space<vmem>> -> memref<1x80xi32, #tpu.memory_space<vmem>>
      %dma_start3A_13 = tpu.memref_squeeze %dma_start3A_12 : memref<1x80xi32, #tpu.memory_space<vmem>> -> memref<80xi32, #tpu.memory_space<vmem>>
      %dma_start3A_14 = arith.constant 0 : i32
      %dma_start3A_15 = arith.constant 0 : i32
      %dma_start3A_16 = tpu.memref_slice %arg2[%dma_start3A_14, %dma_start3A_15] : memref<10000x128xf32, #tpu.memory_space<hbm>> -> memref<10000x128xf32, #tpu.memory_space<hbm>>
      tpu.enqueue_indirect_dma source(%dma_start3A_16 : memref<10000x128xf32, #tpu.memory_space<hbm>>) target(%arg10 : memref<80x128xf32, #tpu.memory_space<vmem>>) offsets(%dma_start3A_13 : memref<80xi32, #tpu.memory_space<vmem>>) semaphore(%arg12 : memref<!tpu.dma_semaphore, #tpu.memory_space<semaphore_mem>>)
      %dma_start3A_17 = arith.constant 0 : i32
      %dma_start3A_18 = tpu.memref_slice %arg9[%scan3A_6, %dma_start3A_17] : memref<125x80xi32, #tpu.memory_space<vmem>> -> memref<1x80xi32, #tpu.memory_space<vmem>>
      %dma_start3A_19 = tpu.memref_squeeze %dma_start3A_18 : memref<1x80xi32, #tpu.memory_space<vmem>> -> memref<80xi32, #tpu.memory_space<vmem>>
      %dma_start3A_20 = arith.constant 0 : i32
      %dma_start3A_21 = arith.constant 0 : i32
      %dma_start3A_22 = tpu.memref_slice %arg3[%dma_start3A_20, %dma_start3A_21] : memref<10000x128xf32, #tpu.memory_space<hbm>> -> memref<10000x128xf32, #tpu.memory_space<hbm>>
      tpu.enqueue_indirect_dma source(%dma_start3A_22 : memref<10000x128xf32, #tpu.memory_space<hbm>>) target(%arg11 : memref<80x128xf32, #tpu.memory_space<vmem>>) offsets(%dma_start3A_19 : memref<80xi32, #tpu.memory_space<vmem>>) semaphore(%arg13 : memref<!tpu.dma_semaphore, #tpu.memory_space<semaphore_mem>>)
      %dma_wait3A = arith.constant 0 : i32
      %dma_wait3A_23 = tpu.memref_slice %arg8[%scan3A_6, %dma_wait3A] : memref<125x80xi32, #tpu.memory_space<vmem>> -> memref<1x80xi32, #tpu.memory_space<vmem>>
      %dma_wait3A_24 = tpu.memref_squeeze %dma_wait3A_23 : memref<1x80xi32, #tpu.memory_space<vmem>> -> memref<80xi32, #tpu.memory_space<vmem>>
      %dma_wait3A_25 = arith.constant 0 : i32
      %dma_wait3A_26 = arith.constant 0 : i32
      %dma_wait3A_27 = tpu.memref_slice %arg2[%dma_wait3A_25, %dma_wait3A_26] : memref<10000x128xf32, #tpu.memory_space<hbm>> -> memref<10000x128xf32, #tpu.memory_space<hbm>>
      tpu.wait_indirect_dma semaphore(%arg12 : memref<!tpu.dma_semaphore, #tpu.memory_space<semaphore_mem>>) src(%dma_wait3A_27 : memref<10000x128xf32, #tpu.memory_space<hbm>>) dst(%arg10 : memref<80x128xf32, #tpu.memory_space<vmem>>)
      %dma_wait3A_28 = arith.constant 0 : i32
      %dma_wait3A_29 = tpu.memref_slice %arg9[%scan3A_6, %dma_wait3A_28] : memref<125x80xi32, #tpu.memory_space<vmem>> -> memref<1x80xi32, #tpu.memory_space<vmem>>
      %dma_wait3A_30 = tpu.memref_squeeze %dma_wait3A_29 : memref<1x80xi32, #tpu.memory_space<vmem>> -> memref<80xi32, #tpu.memory_space<vmem>>
      %dma_wait3A_31 = arith.constant 0 : i32
      %dma_wait3A_32 = arith.constant 0 : i32
      %dma_wait3A_33 = tpu.memref_slice %arg3[%dma_wait3A_31, %dma_wait3A_32] : memref<10000x128xf32, #tpu.memory_space<hbm>> -> memref<10000x128xf32, #tpu.memory_space<hbm>>
      tpu.wait_indirect_dma semaphore(%arg13 : memref<!tpu.dma_semaphore, #tpu.memory_space<semaphore_mem>>) src(%dma_wait3A_33 : memref<10000x128xf32, #tpu.memory_space<hbm>>) dst(%arg11 : memref<80x128xf32, #tpu.memory_space<vmem>>)
      "tpu.region"() ({
        %run_scoped3A = tpu.sem_alloc : memref<!tpu.dma_semaphore, #tpu.memory_space<semaphore_mem>>
        %dma_start3A_34 = arith.constant 0 : i32
        %dma_start3A_35 = tpu.memref_slice %arg6[%add3A_11, %dma_start3A_34] : memref<320000x128xf32, #tpu.memory_space<hbm>> -> memref<80x128xf32, #tpu.memory_space<hbm>>
        %dma_start3A_36 = arith.constant 0 : i32
        %dma_start3A_37 = tpu.memref_slice %arg6[%add3A_11, %dma_start3A_36] : memref<320000x128xf32, #tpu.memory_space<hbm>> -> memref<80x128xf32, #tpu.memory_space<hbm>>
        tpu.enqueue_dma source(%arg10 : memref<80x128xf32, #tpu.memory_space<vmem>>) target(%dma_start3A_37 : memref<80x128xf32, #tpu.memory_space<hbm>>) target_semaphore(%run_scoped3A : memref<!tpu.dma_semaphore, #tpu.memory_space<semaphore_mem>>)
        %dma_wait3A_38 = arith.constant 0 : i32
        %dma_wait3A_39 = tpu.memref_slice %arg6[%add3A_11, %dma_wait3A_38] : memref<320000x128xf32, #tpu.memory_space<hbm>> -> memref<80x128xf32, #tpu.memory_space<hbm>>
        %dma_wait3A_40 = arith.constant 0 : i32
        %dma_wait3A_41 = tpu.memref_slice %arg6[%add3A_11, %dma_wait3A_40] : memref<320000x128xf32, #tpu.memory_space<hbm>> -> memref<80x128xf32, #tpu.memory_space<hbm>>
        tpu.wait_dma2 semaphore(%run_scoped3A : memref<!tpu.dma_semaphore, #tpu.memory_space<semaphore_mem>>) src(%arg10 : memref<80x128xf32, #tpu.memory_space<vmem>>) dst(%dma_wait3A_41 : memref<80x128xf32, #tpu.memory_space<hbm>>)
        tpu.yield
      }) : () -> ()
      "tpu.region"() ({
        %run_scoped3A = tpu.sem_alloc : memref<!tpu.dma_semaphore, #tpu.memory_space<semaphore_mem>>
        %dma_start3A_34 = arith.constant 0 : i32
        %dma_start3A_35 = tpu.memref_slice %arg7[%add3A_11, %dma_start3A_34] : memref<320000x128xf32, #tpu.memory_space<hbm>> -> memref<80x128xf32, #tpu.memory_space<hbm>>
        %dma_start3A_36 = arith.constant 0 : i32
        %dma_start3A_37 = tpu.memref_slice %arg7[%add3A_11, %dma_start3A_36] : memref<320000x128xf32, #tpu.memory_space<hbm>> -> memref<80x128xf32, #tpu.memory_space<hbm>>
        tpu.enqueue_dma source(%arg11 : memref<80x128xf32, #tpu.memory_space<vmem>>) target(%dma_start3A_37 : memref<80x128xf32, #tpu.memory_space<hbm>>) target_semaphore(%run_scoped3A : memref<!tpu.dma_semaphore, #tpu.memory_space<semaphore_mem>>)
        %dma_wait3A_38 = arith.constant 0 : i32
        %dma_wait3A_39 = tpu.memref_slice %arg7[%add3A_11, %dma_wait3A_38] : memref<320000x128xf32, #tpu.memory_space<hbm>> -> memref<80x128xf32, #tpu.memory_space<hbm>>
        %dma_wait3A_40 = arith.constant 0 : i32
        %dma_wait3A_41 = tpu.memref_slice %arg7[%add3A_11, %dma_wait3A_40] : memref<320000x128xf32, #tpu.memory_space<hbm>> -> memref<80x128xf32, #tpu.memory_space<hbm>>
        tpu.wait_dma2 semaphore(%run_scoped3A : memref<!tpu.dma_semaphore, #tpu.memory_space<semaphore_mem>>) src(%arg11 : memref<80x128xf32, #tpu.memory_space<vmem>>) dst(%dma_wait3A_41 : memref<80x128xf32, #tpu.memory_space<hbm>>)
        tpu.yield
      }) : () -> ()
    }
    %scan3A_5 = arith.constant 125 : i32
    return
  }
}

#map = affine_map<(d0, d1) -> (0, 0, 0, 0)>
#map1 = affine_map<(d0, d1) -> (0, 0, 0)>
#map2 = affine_map<(d0, d1) -> (0, 0)>
module attributes {stable_mosaic.version = 14 : i64} {
  func.func @_scatter_body(%arg0: i32, %arg1: i32, %arg2: memref<32x125x80x16xf32, #tpu.memory_space<hbm>>, %arg3: memref<32x125x80xi32, #tpu.memory_space<hbm>>, %arg4: memref<10240x16xf32, #tpu.memory_space<hbm>>, %arg5: memref<2x10240x16xf32, #tpu.memory_space<hbm>>, %arg6: memref<80xi32, #tpu.memory_space<vmem>>, %arg7: memref<80x16xf32, #tpu.memory_space<vmem>>, %arg8: memref<10240x16xf32, #tpu.memory_space<vmem_shared>>) attributes {dimension_semantics = [#tpu.dimension_semantics<core_parallel>, #tpu.dimension_semantics<subcore_parallel>], iteration_bounds = array<i64: 2, 16>, scalar_prefetch = 0 : i64, scratch_operands = 3 : i64, tpu.core_type = #tpu.core_type<sc_vector_subcore>, window_params = [{transform_indices = #map}, {transform_indices = #map1}, {transform_indices = #map2}, {transform_indices = #map1}]} {
    %mul3A = arith.constant 2 : i32
    %mul3A_0 = arith.muli %arg1, %mul3A : i32
    %add3A = arith.addi %mul3A_0, %arg0 : i32
    %eq3A = arith.constant 0 : i32
    %eq3A_1 = arith.cmpi eq, %arg1, %eq3A : i32
    %convert_element_type3A = arith.extui %eq3A_1 : i1 to i32
    %cond3A = arith.constant 0 : i32
    %cond3A_2 = arith.cmpi ne, %convert_element_type3A, %cond3A : i32
    scf.if %cond3A_2 {
      "tpu.region"() ({
        %run_scoped3A = tpu.sem_alloc : memref<!tpu.dma_semaphore, #tpu.memory_space<semaphore_mem>>
        tpu.enqueue_dma source(%arg4 : memref<10240x16xf32, #tpu.memory_space<hbm>>) target(%arg8 : memref<10240x16xf32, #tpu.memory_space<vmem_shared>>) target_semaphore(%run_scoped3A : memref<!tpu.dma_semaphore, #tpu.memory_space<semaphore_mem>>)
        tpu.wait_dma2 semaphore(%run_scoped3A : memref<!tpu.dma_semaphore, #tpu.memory_space<semaphore_mem>>) src(%arg4 : memref<10240x16xf32, #tpu.memory_space<hbm>>) dst(%arg8 : memref<10240x16xf32, #tpu.memory_space<vmem_shared>>)
        tpu.yield
      }) : () -> ()
    } else {
    }
    %barrier3A = arith.constant 0 : index
    tpu.barrier barrier_id(%barrier3A)
    %scan3A = arith.constant 0 : i32
    %scan3A_3 = arith.constant 0 : i32
    %scan3A_4 = arith.constant 125 : i32
    %scan3A_5 = arith.addi %scan3A_3, %scan3A_4 : i32
    %scan3A_6 = arith.constant 1 : i32
    scf.for %scan3A_14 = %scan3A_3 to %scan3A_5 step %scan3A_6  : i32 {
      "tpu.region"() ({
        %run_scoped3A = tpu.sem_alloc : memref<!tpu.dma_semaphore, #tpu.memory_space<semaphore_mem>>
        %dma_start3A = arith.constant 0 : i32
        %dma_start3A_15 = tpu.memref_slice %arg3[%add3A, %scan3A_14, %dma_start3A] : memref<32x125x80xi32, #tpu.memory_space<hbm>> -> memref<1x1x80xi32, #tpu.memory_space<hbm>>
        %dma_start3A_16 = tpu.memref_squeeze %dma_start3A_15 : memref<1x1x80xi32, #tpu.memory_space<hbm>> -> memref<80xi32, #tpu.memory_space<hbm>>
        %dma_start3A_17 = arith.constant 0 : i32
        %dma_start3A_18 = tpu.memref_slice %arg3[%add3A, %scan3A_14, %dma_start3A_17] : memref<32x125x80xi32, #tpu.memory_space<hbm>> -> memref<1x1x80xi32, #tpu.memory_space<hbm>>
        %dma_start3A_19 = tpu.memref_squeeze %dma_start3A_18 : memref<1x1x80xi32, #tpu.memory_space<hbm>> -> memref<80xi32, #tpu.memory_space<hbm>>
        tpu.enqueue_dma source(%dma_start3A_19 : memref<80xi32, #tpu.memory_space<hbm>>) target(%arg6 : memref<80xi32, #tpu.memory_space<vmem>>) target_semaphore(%run_scoped3A : memref<!tpu.dma_semaphore, #tpu.memory_space<semaphore_mem>>)
        %dma_wait3A = arith.constant 0 : i32
        %dma_wait3A_20 = tpu.memref_slice %arg3[%add3A, %scan3A_14, %dma_wait3A] : memref<32x125x80xi32, #tpu.memory_space<hbm>> -> memref<1x1x80xi32, #tpu.memory_space<hbm>>
        %dma_wait3A_21 = tpu.memref_squeeze %dma_wait3A_20 : memref<1x1x80xi32, #tpu.memory_space<hbm>> -> memref<80xi32, #tpu.memory_space<hbm>>
        %dma_wait3A_22 = arith.constant 0 : i32
        %dma_wait3A_23 = tpu.memref_slice %arg3[%add3A, %scan3A_14, %dma_wait3A_22] : memref<32x125x80xi32, #tpu.memory_space<hbm>> -> memref<1x1x80xi32, #tpu.memory_space<hbm>>
        %dma_wait3A_24 = tpu.memref_squeeze %dma_wait3A_23 : memref<1x1x80xi32, #tpu.memory_space<hbm>> -> memref<80xi32, #tpu.memory_space<hbm>>
        tpu.wait_dma2 semaphore(%run_scoped3A : memref<!tpu.dma_semaphore, #tpu.memory_space<semaphore_mem>>) src(%dma_wait3A_24 : memref<80xi32, #tpu.memory_space<hbm>>) dst(%arg6 : memref<80xi32, #tpu.memory_space<vmem>>)
        tpu.yield
      }) : () -> ()
      "tpu.region"() ({
        %run_scoped3A = tpu.sem_alloc : memref<!tpu.dma_semaphore, #tpu.memory_space<semaphore_mem>>
        %dma_start3A = arith.constant 0 : i32
        %dma_start3A_15 = arith.constant 0 : i32
        %dma_start3A_16 = tpu.memref_slice %arg2[%add3A, %scan3A_14, %dma_start3A, %dma_start3A_15] : memref<32x125x80x16xf32, #tpu.memory_space<hbm>> -> memref<1x1x80x16xf32, #tpu.memory_space<hbm>>
        %dma_start3A_17 = tpu.memref_squeeze %dma_start3A_16 : memref<1x1x80x16xf32, #tpu.memory_space<hbm>> -> memref<80x16xf32, #tpu.memory_space<hbm>>
        %dma_start3A_18 = arith.constant 0 : i32
        %dma_start3A_19 = arith.constant 0 : i32
        %dma_start3A_20 = tpu.memref_slice %arg2[%add3A, %scan3A_14, %dma_start3A_18, %dma_start3A_19] : memref<32x125x80x16xf32, #tpu.memory_space<hbm>> -> memref<1x1x80x16xf32, #tpu.memory_space<hbm>>
        %dma_start3A_21 = tpu.memref_squeeze %dma_start3A_20 : memref<1x1x80x16xf32, #tpu.memory_space<hbm>> -> memref<80x16xf32, #tpu.memory_space<hbm>>
        tpu.enqueue_dma source(%dma_start3A_21 : memref<80x16xf32, #tpu.memory_space<hbm>>) target(%arg7 : memref<80x16xf32, #tpu.memory_space<vmem>>) target_semaphore(%run_scoped3A : memref<!tpu.dma_semaphore, #tpu.memory_space<semaphore_mem>>)
        %dma_wait3A = arith.constant 0 : i32
        %dma_wait3A_22 = arith.constant 0 : i32
        %dma_wait3A_23 = tpu.memref_slice %arg2[%add3A, %scan3A_14, %dma_wait3A, %dma_wait3A_22] : memref<32x125x80x16xf32, #tpu.memory_space<hbm>> -> memref<1x1x80x16xf32, #tpu.memory_space<hbm>>
        %dma_wait3A_24 = tpu.memref_squeeze %dma_wait3A_23 : memref<1x1x80x16xf32, #tpu.memory_space<hbm>> -> memref<80x16xf32, #tpu.memory_space<hbm>>
        %dma_wait3A_25 = arith.constant 0 : i32
        %dma_wait3A_26 = arith.constant 0 : i32
        %dma_wait3A_27 = tpu.memref_slice %arg2[%add3A, %scan3A_14, %dma_wait3A_25, %dma_wait3A_26] : memref<32x125x80x16xf32, #tpu.memory_space<hbm>> -> memref<1x1x80x16xf32, #tpu.memory_space<hbm>>
        %dma_wait3A_28 = tpu.memref_squeeze %dma_wait3A_27 : memref<1x1x80x16xf32, #tpu.memory_space<hbm>> -> memref<80x16xf32, #tpu.memory_space<hbm>>
        tpu.wait_dma2 semaphore(%run_scoped3A : memref<!tpu.dma_semaphore, #tpu.memory_space<semaphore_mem>>) src(%dma_wait3A_28 : memref<80x16xf32, #tpu.memory_space<hbm>>) dst(%arg7 : memref<80x16xf32, #tpu.memory_space<vmem>>)
        tpu.yield
      }) : () -> ()
      "tpu.region"() ({
        %run_scoped3A = tpu.sem_alloc : memref<!tpu.dma_semaphore, #tpu.memory_space<semaphore_mem>>
        %dma_start3A = arith.constant 0 : i32
        %dma_start3A_15 = arith.constant 0 : i32
        %dma_start3A_16 = tpu.memref_slice %arg8[%dma_start3A, %dma_start3A_15] : memref<10240x16xf32, #tpu.memory_space<vmem_shared>> -> memref<10240x16xf32, #tpu.memory_space<vmem_shared>>
        tpu.enqueue_indirect_dma source(%arg7 : memref<80x16xf32, #tpu.memory_space<vmem>>) target(%dma_start3A_16 : memref<10240x16xf32, #tpu.memory_space<vmem_shared>>) offsets(%arg6 : memref<80xi32, #tpu.memory_space<vmem>>) semaphore(%run_scoped3A : memref<!tpu.dma_semaphore, #tpu.memory_space<semaphore_mem>>) {add = true}
        %dma_wait3A = arith.constant 0 : i32
        %dma_wait3A_17 = arith.constant 0 : i32
        %dma_wait3A_18 = tpu.memref_slice %arg8[%dma_wait3A, %dma_wait3A_17] : memref<10240x16xf32, #tpu.memory_space<vmem_shared>> -> memref<10240x16xf32, #tpu.memory_space<vmem_shared>>
        tpu.wait_indirect_dma semaphore(%run_scoped3A : memref<!tpu.dma_semaphore, #tpu.memory_space<semaphore_mem>>) src(%arg7 : memref<80x16xf32, #tpu.memory_space<vmem>>) dst(%dma_wait3A_18 : memref<10240x16xf32, #tpu.memory_space<vmem_shared>>)
        tpu.yield
      }) : () -> ()
    }
    %scan3A_7 = arith.constant 125 : i32
    %barrier3A_8 = arith.constant 0 : index
    tpu.barrier barrier_id(%barrier3A_8)
    %eq3A_9 = arith.constant 0 : i32
    %eq3A_10 = arith.cmpi eq, %arg1, %eq3A_9 : i32
    %convert_element_type3A_11 = arith.extui %eq3A_10 : i1 to i32
    %cond3A_12 = arith.constant 0 : i32
    %cond3A_13 = arith.cmpi ne, %convert_element_type3A_11, %cond3A_12 : i32
    scf.if %cond3A_13 {
      "tpu.region"() ({
        %run_scoped3A = tpu.sem_alloc : memref<!tpu.dma_semaphore, #tpu.memory_space<semaphore_mem>>
        %dma_start3A = arith.constant 0 : i32
        %dma_start3A_14 = arith.constant 0 : i32
        %dma_start3A_15 = tpu.memref_slice %arg5[%arg0, %dma_start3A, %dma_start3A_14] : memref<2x10240x16xf32, #tpu.memory_space<hbm>> -> memref<1x10240x16xf32, #tpu.memory_space<hbm>>
        %dma_start3A_16 = tpu.memref_squeeze %dma_start3A_15 : memref<1x10240x16xf32, #tpu.memory_space<hbm>> -> memref<10240x16xf32, #tpu.memory_space<hbm>>
        tpu.enqueue_dma source(%arg8 : memref<10240x16xf32, #tpu.memory_space<vmem_shared>>) target(%dma_start3A_16 : memref<10240x16xf32, #tpu.memory_space<hbm>>) target_semaphore(%run_scoped3A : memref<!tpu.dma_semaphore, #tpu.memory_space<semaphore_mem>>)
        %dma_wait3A = arith.constant 0 : i32
        %dma_wait3A_17 = arith.constant 0 : i32
        %dma_wait3A_18 = tpu.memref_slice %arg5[%arg0, %dma_wait3A, %dma_wait3A_17] : memref<2x10240x16xf32, #tpu.memory_space<hbm>> -> memref<1x10240x16xf32, #tpu.memory_space<hbm>>
        %dma_wait3A_19 = tpu.memref_squeeze %dma_wait3A_18 : memref<1x10240x16xf32, #tpu.memory_space<hbm>> -> memref<10240x16xf32, #tpu.memory_space<hbm>>
        tpu.wait_dma2 semaphore(%run_scoped3A : memref<!tpu.dma_semaphore, #tpu.memory_space<semaphore_mem>>) src(%arg8 : memref<10240x16xf32, #tpu.memory_space<vmem_shared>>) dst(%dma_wait3A_19 : memref<10240x16xf32, #tpu.memory_space<hbm>>)
        tpu.yield
      }) : () -> ()
    } else {
    }
    return
  }
}

module attributes {stable_mosaic.version = 14 : i64} {
  func.func @_ab_body(%arg0: i32, %arg1: memref<2000x128xf32, #tpu.memory_space<vmem>>, %arg2: memref<128x128xf32, #tpu.memory_space<vmem>>, %arg3: memref<128x128xf32, #tpu.memory_space<vmem>>, %arg4: memref<16x128xf32, #tpu.memory_space<vmem>>, %arg5: memref<1x128xf32, #tpu.memory_space<vmem>>, %arg6: memref<1x16xf32, #tpu.memory_space<vmem>>, %arg7: memref<2000x128xf32, #tpu.memory_space<vmem>>, %arg8: memref<2000x128xf32, #tpu.memory_space<vmem>>) attributes {dimension_semantics = [#tpu.dimension_semantics<arbitrary>], iteration_bounds = array<i64: 5>, scalar_prefetch = 0 : i64, scratch_operands = 0 : i64, tpu.core_type = #tpu.core_type<tc>, window_params = [{transform_indices = @transform_0, window_bounds = array<i64: 2000, 128>}, {pipeline_mode = #tpu.pipeline_mode<synchronous>, transform_indices = @transform_1, window_bounds = array<i64: 128, 128>}, {pipeline_mode = #tpu.pipeline_mode<synchronous>, transform_indices = @transform_2, window_bounds = array<i64: 128, 128>}, {pipeline_mode = #tpu.pipeline_mode<synchronous>, transform_indices = @transform_3, window_bounds = array<i64: 16, 128>}, {pipeline_mode = #tpu.pipeline_mode<synchronous>, transform_indices = @transform_4, window_bounds = array<i64: 1, 128>}, {pipeline_mode = #tpu.pipeline_mode<synchronous>, transform_indices = @transform_5, window_bounds = array<i64: 1, 16>}, {transform_indices = @transform_6, window_bounds = array<i64: 2000, 128>}, {transform_indices = @transform_7, window_bounds = array<i64: 2000, 128>}]} {
    %get3A = arith.constant 0 : index
    %get3A_0 = arith.constant 0 : index
    %get3A_1 = vector.load %arg6[%get3A, %get3A_0] : memref<1x16xf32, #tpu.memory_space<vmem>>, vector<1x16xf32>
    %get3A_2 = arith.constant 0 : index
    %get3A_3 = arith.constant 0 : index
    %get3A_4 = vector.load %arg4[%get3A_2, %get3A_3] : memref<16x128xf32, #tpu.memory_space<vmem>>, vector<16x128xf32>
    %dot_general3A = arith.constant dense<0.000000e+00> : vector<1x128xf32>
    %dot_general3A_5 = tpu.matmul %get3A_1, %get3A_4, %dot_general3A {dimension_numbers = #tpu.dot_dimension_numbers<[1], [0], [0], [1], [0, 0, 1, 1], [], []>, transpose_lhs_hint = false} : vector<1x16xf32>, vector<16x128xf32>, vector<1x128xf32> -> vector<1x128xf32>
    %get3A_6 = arith.constant 0 : index
    %get3A_7 = arith.constant 0 : index
    %get3A_8 = vector.load %arg5[%get3A_6, %get3A_7] : memref<1x128xf32, #tpu.memory_space<vmem>>, vector<1x128xf32>
    %add3A = arith.addf %dot_general3A_5, %get3A_8 : vector<1x128xf32>
    %get3A_9 = arith.constant 0 : index
    %get3A_10 = arith.constant 0 : index
    %get3A_11 = vector.load %arg1[%get3A_9, %get3A_10] : memref<2000x128xf32, #tpu.memory_space<vmem>>, vector<2000x128xf32>
    %get3A_12 = arith.constant 0 : index
    %get3A_13 = arith.constant 0 : index
    %get3A_14 = vector.load %arg2[%get3A_12, %get3A_13] : memref<128x128xf32, #tpu.memory_space<vmem>>, vector<128x128xf32>
    %dot_general3A_15 = arith.constant dense<0.000000e+00> : vector<2000x128xf32>
    %dot_general3A_16 = tpu.matmul %get3A_11, %get3A_14, %dot_general3A_15 {dimension_numbers = #tpu.dot_dimension_numbers<[1], [0], [0], [1], [0, 0, 1, 1], [], []>, transpose_lhs_hint = false} : vector<2000x128xf32>, vector<128x128xf32>, vector<2000x128xf32> -> vector<2000x128xf32>
    %add3A_17 = vector.broadcast %add3A : vector<1x128xf32> to vector<2000x128xf32>
    %add3A_18 = arith.addf %dot_general3A_16, %add3A_17 : vector<2000x128xf32>
    %swap3A = arith.constant 0 : index
    %swap3A_19 = arith.constant 0 : index
    %swap3A_20 = vector.load %arg7[%swap3A, %swap3A_19] : memref<2000x128xf32, #tpu.memory_space<vmem>>, vector<2000x128xf32>
    tpu.vector_store %arg7[%swap3A, %swap3A_19], %add3A_18 {strides = array<i32>} : memref<2000x128xf32, #tpu.memory_space<vmem>>, vector<2000x128xf32>,
    %get3A_21 = arith.constant 0 : index
    %get3A_22 = arith.constant 0 : index
    %get3A_23 = vector.load %arg1[%get3A_21, %get3A_22] : memref<2000x128xf32, #tpu.memory_space<vmem>>, vector<2000x128xf32>
    %get3A_24 = arith.constant 0 : index
    %get3A_25 = arith.constant 0 : index
    %get3A_26 = vector.load %arg3[%get3A_24, %get3A_25] : memref<128x128xf32, #tpu.memory_space<vmem>>, vector<128x128xf32>
    %dot_general3A_27 = arith.constant dense<0.000000e+00> : vector<2000x128xf32>
    %dot_general3A_28 = tpu.matmul %get3A_23, %get3A_26, %dot_general3A_27 {dimension_numbers = #tpu.dot_dimension_numbers<[1], [0], [0], [1], [0, 0, 1, 1], [], []>, transpose_lhs_hint = false} : vector<2000x128xf32>, vector<128x128xf32>, vector<2000x128xf32> -> vector<2000x128xf32>
    %swap3A_29 = arith.constant 0 : index
    %swap3A_30 = arith.constant 0 : index
    %swap3A_31 = vector.load %arg8[%swap3A_29, %swap3A_30] : memref<2000x128xf32, #tpu.memory_space<vmem>>, vector<2000x128xf32>
    tpu.vector_store %arg8[%swap3A_29, %swap3A_30], %dot_general3A_28 {strides = array<i32>} : memref<2000x128xf32, #tpu.memory_space<vmem>>, vector<2000x128xf32>,
    return
  }
  func.func @transform_0(%arg0: i32) -> (i32, i32) {
    %c0_i32 = arith.constant 0 : i32
    %c0_i32_0 = arith.constant 0 : i32
    return %arg0, %c0_i32 : i32, i32
  }
  func.func @transform_1(%arg0: i32) -> (i32, i32) {
    %c0_i32 = arith.constant 0 : i32
    %c0_i32_0 = arith.constant 0 : i32
    %c0_i32_1 = arith.constant 0 : i32
    return %c0_i32, %c0_i32_0 : i32, i32
  }
  func.func @transform_2(%arg0: i32) -> (i32, i32) {
    %c0_i32 = arith.constant 0 : i32
    %c0_i32_0 = arith.constant 0 : i32
    %c0_i32_1 = arith.constant 0 : i32
    return %c0_i32, %c0_i32_0 : i32, i32
  }
  func.func @transform_3(%arg0: i32) -> (i32, i32) {
    %c0_i32 = arith.constant 0 : i32
    %c0_i32_0 = arith.constant 0 : i32
    %c0_i32_1 = arith.constant 0 : i32
    return %c0_i32, %c0_i32_0 : i32, i32
  }
  func.func @transform_4(%arg0: i32) -> (i32, i32) {
    %c0_i32 = arith.constant 0 : i32
    %c0_i32_0 = arith.constant 0 : i32
    %c0_i32_1 = arith.constant 0 : i32
    return %c0_i32, %c0_i32_0 : i32, i32
  }
  func.func @transform_5(%arg0: i32) -> (i32, i32) {
    %c0_i32 = arith.constant 0 : i32
    %c0_i32_0 = arith.constant 0 : i32
    %c0_i32_1 = arith.constant 0 : i32
    return %c0_i32, %c0_i32_0 : i32, i32
  }
  func.func @transform_6(%arg0: i32) -> (i32, i32) {
    %c0_i32 = arith.constant 0 : i32
    %c0_i32_0 = arith.constant 0 : i32
    return %arg0, %c0_i32 : i32, i32
  }
  func.func @transform_7(%arg0: i32) -> (i32, i32) {
    %c0_i32 = arith.constant 0 : i32
    %c0_i32_0 = arith.constant 0 : i32
    return %arg0, %c0_i32 : i32, i32
  }
}

module attributes {stable_mosaic.version = 14 : i64} {
  func.func @_edge_body(%arg0: i32, %arg1: memref<4000x128xf32, #tpu.memory_space<vmem>>, %arg2: memref<4000x128xf32, #tpu.memory_space<vmem>>, %arg3: memref<4000x16xf32, #tpu.memory_space<vmem>>, %arg4: memref<16x128xf32, #tpu.memory_space<vmem>>, %arg5: memref<128x16xf32, #tpu.memory_space<vmem>>, %arg6: memref<1x16xf32, #tpu.memory_space<vmem>>, %arg7: memref<4000x16xf32, #tpu.memory_space<vmem>>) attributes {dimension_semantics = [#tpu.dimension_semantics<arbitrary>], iteration_bounds = array<i64: 80>, scalar_prefetch = 0 : i64, scratch_operands = 0 : i64, tpu.core_type = #tpu.core_type<tc>, window_params = [{transform_indices = @transform_0, window_bounds = array<i64: 4000, 128>}, {transform_indices = @transform_1, window_bounds = array<i64: 4000, 128>}, {transform_indices = @transform_2, window_bounds = array<i64: 4000, 16>}, {pipeline_mode = #tpu.pipeline_mode<synchronous>, transform_indices = @transform_3, window_bounds = array<i64: 16, 128>}, {pipeline_mode = #tpu.pipeline_mode<synchronous>, transform_indices = @transform_4, window_bounds = array<i64: 128, 16>}, {pipeline_mode = #tpu.pipeline_mode<synchronous>, transform_indices = @transform_5, window_bounds = array<i64: 1, 16>}, {transform_indices = @transform_6, window_bounds = array<i64: 4000, 16>}]} {
    %get3A = arith.constant 0 : index
    %get3A_0 = arith.constant 0 : index
    %get3A_1 = vector.load %arg1[%get3A, %get3A_0] : memref<4000x128xf32, #tpu.memory_space<vmem>>, vector<4000x128xf32>
    %get3A_2 = arith.constant 0 : index
    %get3A_3 = arith.constant 0 : index
    %get3A_4 = vector.load %arg2[%get3A_2, %get3A_3] : memref<4000x128xf32, #tpu.memory_space<vmem>>, vector<4000x128xf32>
    %add3A = arith.addf %get3A_1, %get3A_4 : vector<4000x128xf32>
    %get3A_5 = arith.constant 0 : index
    %get3A_6 = arith.constant 0 : index
    %get3A_7 = vector.load %arg3[%get3A_5, %get3A_6] : memref<4000x16xf32, #tpu.memory_space<vmem>>, vector<4000x16xf32>
    %get3A_8 = arith.constant 0 : index
    %get3A_9 = arith.constant 0 : index
    %get3A_10 = vector.load %arg4[%get3A_8, %get3A_9] : memref<16x128xf32, #tpu.memory_space<vmem>>, vector<16x128xf32>
    %dot_general3A = arith.constant dense<0.000000e+00> : vector<4000x128xf32>
    %dot_general3A_11 = tpu.matmul %get3A_7, %get3A_10, %dot_general3A {dimension_numbers = #tpu.dot_dimension_numbers<[1], [0], [0], [1], [0, 0, 1, 1], [], []>, transpose_lhs_hint = false} : vector<4000x16xf32>, vector<16x128xf32>, vector<4000x128xf32> -> vector<4000x128xf32>
    %add3A_12 = arith.addf %add3A, %dot_general3A_11 : vector<4000x128xf32>
    %max3A = arith.constant 0.000000e+00 : f32
    %max3A_13 = vector.broadcast %max3A : f32 to vector<4000x128xf32>
    %max3A_14 = arith.maximumf %add3A_12, %max3A_13 : vector<4000x128xf32>
    %get3A_15 = arith.constant 0 : index
    %get3A_16 = arith.constant 0 : index
    %get3A_17 = vector.load %arg5[%get3A_15, %get3A_16] : memref<128x16xf32, #tpu.memory_space<vmem>>, vector<128x16xf32>
    %dot_general3A_18 = arith.constant dense<0.000000e+00> : vector<4000x16xf32>
    %dot_general3A_19 = tpu.matmul %max3A_14, %get3A_17, %dot_general3A_18 {dimension_numbers = #tpu.dot_dimension_numbers<[1], [0], [0], [1], [0, 0, 1, 1], [], []>, transpose_lhs_hint = false} : vector<4000x128xf32>, vector<128x16xf32>, vector<4000x16xf32> -> vector<4000x16xf32>
    %get3A_20 = arith.constant 0 : index
    %get3A_21 = arith.constant 0 : index
    %get3A_22 = vector.load %arg6[%get3A_20, %get3A_21] : memref<1x16xf32, #tpu.memory_space<vmem>>, vector<1x16xf32>
    %add3A_23 = vector.broadcast %get3A_22 : vector<1x16xf32> to vector<4000x16xf32>
    %add3A_24 = arith.addf %dot_general3A_19, %add3A_23 : vector<4000x16xf32>
    %swap3A = arith.constant 0 : index
    %swap3A_25 = arith.constant 0 : index
    %swap3A_26 = vector.load %arg7[%swap3A, %swap3A_25] : memref<4000x16xf32, #tpu.memory_space<vmem>>, vector<4000x16xf32>
    tpu.vector_store %arg7[%swap3A, %swap3A_25], %add3A_24 {strides = array<i32>} : memref<4000x16xf32, #tpu.memory_space<vmem>>, vector<4000x16xf32>,
    return
  }
  func.func @transform_0(%arg0: i32) -> (i32, i32) {
    %c0_i32 = arith.constant 0 : i32
    %c0_i32_0 = arith.constant 0 : i32
    return %arg0, %c0_i32 : i32, i32
  }
  func.func @transform_1(%arg0: i32) -> (i32, i32) {
    %c0_i32 = arith.constant 0 : i32
    %c0_i32_0 = arith.constant 0 : i32
    return %arg0, %c0_i32 : i32, i32
  }
  func.func @transform_2(%arg0: i32) -> (i32, i32) {
    %c0_i32 = arith.constant 0 : i32
    %c0_i32_0 = arith.constant 0 : i32
    return %arg0, %c0_i32 : i32, i32
  }
  func.func @transform_3(%arg0: i32) -> (i32, i32) {
    %c0_i32 = arith.constant 0 : i32
    %c0_i32_0 = arith.constant 0 : i32
    %c0_i32_1 = arith.constant 0 : i32
    return %c0_i32, %c0_i32_0 : i32, i32
  }
  func.func @transform_4(%arg0: i32) -> (i32, i32) {
    %c0_i32 = arith.constant 0 : i32
    %c0_i32_0 = arith.constant 0 : i32
    %c0_i32_1 = arith.constant 0 : i32
    return %c0_i32, %c0_i32_0 : i32, i32
  }
  func.func @transform_5(%arg0: i32) -> (i32, i32) {
    %c0_i32 = arith.constant 0 : i32
    %c0_i32_0 = arith.constant 0 : i32
    %c0_i32_1 = arith.constant 0 : i32
    return %c0_i32, %c0_i32_0 : i32, i32
  }
  func.func @transform_6(%arg0: i32) -> (i32, i32) {
    %c0_i32 = arith.constant 0 : i32
    %c0_i32_0 = arith.constant 0 : i32
    return %arg0, %c0_i32 : i32, i32
  }
}

module attributes {stable_mosaic.version = 14 : i64} {
  func.func @_node_body(%arg0: i32, %arg1: memref<2000x128xf32, #tpu.memory_space<vmem>>, %arg2: memref<2x2000x16xf32, #tpu.memory_space<vmem>>, %arg3: memref<128x128xf32, #tpu.memory_space<vmem>>, %arg4: memref<16x128xf32, #tpu.memory_space<vmem>>, %arg5: memref<16x128xf32, #tpu.memory_space<vmem>>, %arg6: memref<1x128xf32, #tpu.memory_space<vmem>>, %arg7: memref<1x16xf32, #tpu.memory_space<vmem>>, %arg8: memref<128x128xf32, #tpu.memory_space<vmem>>, %arg9: memref<1x128xf32, #tpu.memory_space<vmem>>, %arg10: memref<2000x128xf32, #tpu.memory_space<vmem>>, %arg11: memref<1x128xf32, #tpu.memory_space<vmem>>) attributes {dimension_semantics = [#tpu.dimension_semantics<arbitrary>], iteration_bounds = array<i64: 5>, scalar_prefetch = 0 : i64, scratch_operands = 0 : i64, tpu.core_type = #tpu.core_type<tc>, window_params = [{transform_indices = @transform_0, window_bounds = array<i64: 2000, 128>}, {transform_indices = @transform_1, window_bounds = array<i64: 2, 2000, 16>}, {pipeline_mode = #tpu.pipeline_mode<synchronous>, transform_indices = @transform_2, window_bounds = array<i64: 128, 128>}, {pipeline_mode = #tpu.pipeline_mode<synchronous>, transform_indices = @transform_3, window_bounds = array<i64: 16, 128>}, {pipeline_mode = #tpu.pipeline_mode<synchronous>, transform_indices = @transform_4, window_bounds = array<i64: 16, 128>}, {pipeline_mode = #tpu.pipeline_mode<synchronous>, transform_indices = @transform_5, window_bounds = array<i64: 1, 128>}, {pipeline_mode = #tpu.pipeline_mode<synchronous>, transform_indices = @transform_6, window_bounds = array<i64: 1, 16>}, {pipeline_mode = #tpu.pipeline_mode<synchronous>, transform_indices = @transform_7, window_bounds = array<i64: 128, 128>}, {pipeline_mode = #tpu.pipeline_mode<synchronous>, transform_indices = @transform_8, window_bounds = array<i64: 1, 128>}, {transform_indices = @transform_9, window_bounds = array<i64: 2000, 128>}, {pipeline_mode = #tpu.pipeline_mode<synchronous>, transform_indices = @transform_10, window_bounds = array<i64: 1, 128>}]} {
    %get3A = arith.constant 0 : index
    %get3A_0 = arith.constant 0 : index
    %get3A_1 = arith.constant 0 : index
    %get3A_2 = vector.load %arg2[%get3A, %get3A_0, %get3A_1] : memref<2x2000x16xf32, #tpu.memory_space<vmem>>, vector<2x2000x16xf32>
    %reduce_sum3A = arith.constant dense<0.000000e+00> : vector<2000x16xf32>
    %reduce_sum3A_3 = vector.multi_reduction <add>, %get3A_2, %reduce_sum3A [0] : vector<2x2000x16xf32> to vector<2000x16xf32>
    %get3A_4 = arith.constant 0 : index
    %get3A_5 = arith.constant 0 : index
    %get3A_6 = vector.load %arg7[%get3A_4, %get3A_5] : memref<1x16xf32, #tpu.memory_space<vmem>>, vector<1x16xf32>
    %get3A_7 = arith.constant 0 : index
    %get3A_8 = arith.constant 0 : index
    %get3A_9 = vector.load %arg5[%get3A_7, %get3A_8] : memref<16x128xf32, #tpu.memory_space<vmem>>, vector<16x128xf32>
    %dot_general3A = arith.constant dense<0.000000e+00> : vector<1x128xf32>
    %dot_general3A_10 = tpu.matmul %get3A_6, %get3A_9, %dot_general3A {dimension_numbers = #tpu.dot_dimension_numbers<[1], [0], [0], [1], [0, 0, 1, 1], [], []>, transpose_lhs_hint = false} : vector<1x16xf32>, vector<16x128xf32>, vector<1x128xf32> -> vector<1x128xf32>
    %get3A_11 = arith.constant 0 : index
    %get3A_12 = arith.constant 0 : index
    %get3A_13 = vector.load %arg6[%get3A_11, %get3A_12] : memref<1x128xf32, #tpu.memory_space<vmem>>, vector<1x128xf32>
    %add3A = arith.addf %dot_general3A_10, %get3A_13 : vector<1x128xf32>
    %get3A_14 = arith.constant 0 : index
    %get3A_15 = arith.constant 0 : index
    %get3A_16 = vector.load %arg1[%get3A_14, %get3A_15] : memref<2000x128xf32, #tpu.memory_space<vmem>>, vector<2000x128xf32>
    %get3A_17 = arith.constant 0 : index
    %get3A_18 = arith.constant 0 : index
    %get3A_19 = vector.load %arg3[%get3A_17, %get3A_18] : memref<128x128xf32, #tpu.memory_space<vmem>>, vector<128x128xf32>
    %dot_general3A_20 = arith.constant dense<0.000000e+00> : vector<2000x128xf32>
    %dot_general3A_21 = tpu.matmul %get3A_16, %get3A_19, %dot_general3A_20 {dimension_numbers = #tpu.dot_dimension_numbers<[1], [0], [0], [1], [0, 0, 1, 1], [], []>, transpose_lhs_hint = false} : vector<2000x128xf32>, vector<128x128xf32>, vector<2000x128xf32> -> vector<2000x128xf32>
    %get3A_22 = arith.constant 0 : index
    %get3A_23 = arith.constant 0 : index
    %get3A_24 = vector.load %arg4[%get3A_22, %get3A_23] : memref<16x128xf32, #tpu.memory_space<vmem>>, vector<16x128xf32>
    %dot_general3A_25 = arith.constant dense<0.000000e+00> : vector<2000x128xf32>
    %dot_general3A_26 = tpu.matmul %reduce_sum3A_3, %get3A_24, %dot_general3A_25 {dimension_numbers = #tpu.dot_dimension_numbers<[1], [0], [0], [1], [0, 0, 1, 1], [], []>, transpose_lhs_hint = false} : vector<2000x16xf32>, vector<16x128xf32>, vector<2000x128xf32> -> vector<2000x128xf32>
    %add3A_27 = arith.addf %dot_general3A_21, %dot_general3A_26 : vector<2000x128xf32>
    %add3A_28 = vector.broadcast %add3A : vector<1x128xf32> to vector<2000x128xf32>
    %add3A_29 = arith.addf %add3A_27, %add3A_28 : vector<2000x128xf32>
    %max3A = arith.constant 0.000000e+00 : f32
    %max3A_30 = vector.broadcast %max3A : f32 to vector<2000x128xf32>
    %max3A_31 = arith.maximumf %add3A_29, %max3A_30 : vector<2000x128xf32>
    %get3A_32 = arith.constant 0 : index
    %get3A_33 = arith.constant 0 : index
    %get3A_34 = vector.load %arg8[%get3A_32, %get3A_33] : memref<128x128xf32, #tpu.memory_space<vmem>>, vector<128x128xf32>
    %dot_general3A_35 = arith.constant dense<0.000000e+00> : vector<2000x128xf32>
    %dot_general3A_36 = tpu.matmul %max3A_31, %get3A_34, %dot_general3A_35 {dimension_numbers = #tpu.dot_dimension_numbers<[1], [0], [0], [1], [0, 0, 1, 1], [], []>, transpose_lhs_hint = false} : vector<2000x128xf32>, vector<128x128xf32>, vector<2000x128xf32> -> vector<2000x128xf32>
    %get3A_37 = arith.constant 0 : index
    %get3A_38 = arith.constant 0 : index
    %get3A_39 = vector.load %arg9[%get3A_37, %get3A_38] : memref<1x128xf32, #tpu.memory_space<vmem>>, vector<1x128xf32>
    %add3A_40 = vector.broadcast %get3A_39 : vector<1x128xf32> to vector<2000x128xf32>
    %add3A_41 = arith.addf %dot_general3A_36, %add3A_40 : vector<2000x128xf32>
    %swap3A = arith.constant 0 : index
    %swap3A_42 = arith.constant 0 : index
    %swap3A_43 = vector.load %arg10[%swap3A, %swap3A_42] : memref<2000x128xf32, #tpu.memory_space<vmem>>, vector<2000x128xf32>
    tpu.vector_store %arg10[%swap3A, %swap3A_42], %add3A_41 {strides = array<i32>} : memref<2000x128xf32, #tpu.memory_space<vmem>>, vector<2000x128xf32>,
    %eq3A = arith.constant 0 : i32
    %eq3A_44 = arith.cmpi eq, %arg0, %eq3A : i32
    %convert_element_type3A = arith.extui %eq3A_44 : i1 to i32
    %cond3A = arith.constant 0 : i32
    %cond3A_45 = arith.cmpi ne, %convert_element_type3A, %cond3A : i32
    scf.if %cond3A_45 {
      %broadcast_in_dim3A_55 = arith.constant 0.000000e+00 : f32
      %broadcast_in_dim3A_56 = vector.broadcast %broadcast_in_dim3A_55 : f32 to vector<1x128xf32>
      %swap3A_57 = arith.constant 0 : index
      %swap3A_58 = arith.constant 0 : index
      %swap3A_59 = vector.load %arg11[%swap3A_57, %swap3A_58] : memref<1x128xf32, #tpu.memory_space<vmem>>, vector<1x128xf32>
      tpu.vector_store %arg11[%swap3A_57, %swap3A_58], %broadcast_in_dim3A_56 {strides = array<i32>} : memref<1x128xf32, #tpu.memory_space<vmem>>, vector<1x128xf32>,
    } else {
    }
    %get3A_46 = arith.constant 0 : index
    %get3A_47 = arith.constant 0 : index
    %get3A_48 = vector.load %arg11[%get3A_46, %get3A_47] : memref<1x128xf32, #tpu.memory_space<vmem>>, vector<1x128xf32>
    %reduce_sum3A_49 = arith.constant dense<0.000000e+00> : vector<128xf32>
    %reduce_sum3A_50 = vector.multi_reduction <add>, %add3A_41, %reduce_sum3A_49 [0] : vector<2000x128xf32> to vector<128xf32>
    %broadcast_in_dim3A = vector.shape_cast %reduce_sum3A_50 : vector<128xf32> to vector<1x128xf32>
    %add3A_51 = arith.addf %get3A_48, %broadcast_in_dim3A : vector<1x128xf32>
    %swap3A_52 = arith.constant 0 : index
    %swap3A_53 = arith.constant 0 : index
    %swap3A_54 = vector.load %arg11[%swap3A_52, %swap3A_53] : memref<1x128xf32, #tpu.memory_space<vmem>>, vector<1x128xf32>
    tpu.vector_store %arg11[%swap3A_52, %swap3A_53], %add3A_51 {strides = array<i32>} : memref<1x128xf32, #tpu.memory_space<vmem>>, vector<1x128xf32>,
    return
  }
  func.func @transform_0(%arg0: i32) -> (i32, i32) {
    %c0_i32 = arith.constant 0 : i32
    %c0_i32_0 = arith.constant 0 : i32
    return %arg0, %c0_i32 : i32, i32
  }
  func.func @transform_1(%arg0: i32) -> (i32, i32, i32) {
    %c0_i32 = arith.constant 0 : i32
    %c0_i32_0 = arith.constant 0 : i32
    %c0_i32_1 = arith.constant 0 : i32
    return %c0_i32, %arg0, %c0_i32_0 : i32, i32, i32
  }
  func.func @transform_2(%arg0: i32) -> (i32, i32) {
    %c0_i32 = arith.constant 0 : i32
    %c0_i32_0 = arith.constant 0 : i32
    %c0_i32_1 = arith.constant 0 : i32
    return %c0_i32, %c0_i32_0 : i32, i32
  }
  func.func @transform_3(%arg0: i32) -> (i32, i32) {
    %c0_i32 = arith.constant 0 : i32
    %c0_i32_0 = arith.constant 0 : i32
    %c0_i32_1 = arith.constant 0 : i32
    return %c0_i32, %c0_i32_0 : i32, i32
  }
  func.func @transform_4(%arg0: i32) -> (i32, i32) {
    %c0_i32 = arith.constant 0 : i32
    %c0_i32_0 = arith.constant 0 : i32
    %c0_i32_1 = arith.constant 0 : i32
    return %c0_i32, %c0_i32_0 : i32, i32
  }
  func.func @transform_5(%arg0: i32) -> (i32, i32) {
    %c0_i32 = arith.constant 0 : i32
    %c0_i32_0 = arith.constant 0 : i32
    %c0_i32_1 = arith.constant 0 : i32
    return %c0_i32, %c0_i32_0 : i32, i32
  }
  func.func @transform_6(%arg0: i32) -> (i32, i32) {
    %c0_i32 = arith.constant 0 : i32
    %c0_i32_0 = arith.constant 0 : i32
    %c0_i32_1 = arith.constant 0 : i32
    return %c0_i32, %c0_i32_0 : i32, i32
  }
  func.func @transform_7(%arg0: i32) -> (i32, i32) {
    %c0_i32 = arith.constant 0 : i32
    %c0_i32_0 = arith.constant 0 : i32
    %c0_i32_1 = arith.constant 0 : i32
    return %c0_i32, %c0_i32_0 : i32, i32
  }
  func.func @transform_8(%arg0: i32) -> (i32, i32) {
    %c0_i32 = arith.constant 0 : i32
    %c0_i32_0 = arith.constant 0 : i32
    %c0_i32_1 = arith.constant 0 : i32
    return %c0_i32, %c0_i32_0 : i32, i32
  }
  func.func @transform_9(%arg0: i32) -> (i32, i32) {
    %c0_i32 = arith.constant 0 : i32
    %c0_i32_0 = arith.constant 0 : i32
    return %arg0, %c0_i32 : i32, i32
  }
  func.func @transform_10(%arg0: i32) -> (i32, i32) {
    %c0_i32 = arith.constant 0 : i32
    %c0_i32_0 = arith.constant 0 : i32
    %c0_i32_1 = arith.constant 0 : i32
    return %c0_i32, %c0_i32_0 : i32, i32
  }
}

module attributes {stable_mosaic.version = 14 : i64} {
  func.func @_glob_body(%arg0: memref<1x128xf32, #tpu.memory_space<vmem>>, %arg1: memref<1x16xf32, #tpu.memory_space<vmem>>, %arg2: memref<16x128xf32, #tpu.memory_space<vmem>>, %arg3: memref<128x128xf32, #tpu.memory_space<vmem>>, %arg4: memref<1x128xf32, #tpu.memory_space<vmem>>, %arg5: memref<128x16xf32, #tpu.memory_space<vmem>>, %arg6: memref<1x16xf32, #tpu.memory_space<vmem>>, %arg7: memref<1x16xf32, #tpu.memory_space<vmem>>) attributes {dimension_semantics = [], scalar_prefetch = 0 : i64, scratch_operands = 0 : i64, tpu.core_type = #tpu.core_type<tc>} {
    %get3A = arith.constant 0 : index
    %get3A_0 = arith.constant 0 : index
    %get3A_1 = vector.load %arg0[%get3A, %get3A_0] : memref<1x128xf32, #tpu.memory_space<vmem>>, vector<1x128xf32>
    %mul3A = arith.constant 9.99999974E-5 : f32
    %mul3A_2 = vector.broadcast %mul3A : f32 to vector<1x128xf32>
    %mul3A_3 = arith.mulf %get3A_1, %mul3A_2 : vector<1x128xf32>
    %get3A_4 = arith.constant 0 : index
    %get3A_5 = arith.constant 0 : index
    %get3A_6 = vector.load %arg1[%get3A_4, %get3A_5] : memref<1x16xf32, #tpu.memory_space<vmem>>, vector<1x16xf32>
    %get3A_7 = arith.constant 0 : index
    %get3A_8 = arith.constant 0 : index
    %get3A_9 = vector.load %arg2[%get3A_7, %get3A_8] : memref<16x128xf32, #tpu.memory_space<vmem>>, vector<16x128xf32>
    %dot_general3A = arith.constant dense<0.000000e+00> : vector<1x128xf32>
    %dot_general3A_10 = tpu.matmul %get3A_6, %get3A_9, %dot_general3A {dimension_numbers = #tpu.dot_dimension_numbers<[1], [0], [0], [1], [0, 0, 1, 1], [], []>, transpose_lhs_hint = false} : vector<1x16xf32>, vector<16x128xf32>, vector<1x128xf32> -> vector<1x128xf32>
    %get3A_11 = arith.constant 0 : index
    %get3A_12 = arith.constant 0 : index
    %get3A_13 = vector.load %arg3[%get3A_11, %get3A_12] : memref<128x128xf32, #tpu.memory_space<vmem>>, vector<128x128xf32>
    %dot_general3A_14 = arith.constant dense<0.000000e+00> : vector<1x128xf32>
    %dot_general3A_15 = tpu.matmul %mul3A_3, %get3A_13, %dot_general3A_14 {dimension_numbers = #tpu.dot_dimension_numbers<[1], [0], [0], [1], [0, 0, 1, 1], [], []>, transpose_lhs_hint = false} : vector<1x128xf32>, vector<128x128xf32>, vector<1x128xf32> -> vector<1x128xf32>
    %add3A = arith.addf %dot_general3A_10, %dot_general3A_15 : vector<1x128xf32>
    %get3A_16 = arith.constant 0 : index
    %get3A_17 = arith.constant 0 : index
    %get3A_18 = vector.load %arg4[%get3A_16, %get3A_17] : memref<1x128xf32, #tpu.memory_space<vmem>>, vector<1x128xf32>
    %add3A_19 = arith.addf %add3A, %get3A_18 : vector<1x128xf32>
    %max3A = arith.constant 0.000000e+00 : f32
    %max3A_20 = vector.broadcast %max3A : f32 to vector<1x128xf32>
    %max3A_21 = arith.maximumf %add3A_19, %max3A_20 : vector<1x128xf32>
    %get3A_22 = arith.constant 0 : index
    %get3A_23 = arith.constant 0 : index
    %get3A_24 = vector.load %arg5[%get3A_22, %get3A_23] : memref<128x16xf32, #tpu.memory_space<vmem>>, vector<128x16xf32>
    %dot_general3A_25 = arith.constant dense<0.000000e+00> : vector<1x16xf32>
    %dot_general3A_26 = tpu.matmul %max3A_21, %get3A_24, %dot_general3A_25 {dimension_numbers = #tpu.dot_dimension_numbers<[1], [0], [0], [1], [0, 0, 1, 1], [], []>, transpose_lhs_hint = false} : vector<1x128xf32>, vector<128x16xf32>, vector<1x16xf32> -> vector<1x16xf32>
    %get3A_27 = arith.constant 0 : index
    %get3A_28 = arith.constant 0 : index
    %get3A_29 = vector.load %arg6[%get3A_27, %get3A_28] : memref<1x16xf32, #tpu.memory_space<vmem>>, vector<1x16xf32>
    %add3A_30 = arith.addf %dot_general3A_26, %get3A_29 : vector<1x16xf32>
    %swap3A = arith.constant 0 : index
    %swap3A_31 = arith.constant 0 : index
    %swap3A_32 = vector.load %arg7[%swap3A, %swap3A_31] : memref<1x16xf32, #tpu.memory_space<vmem>>, vector<1x16xf32>
    tpu.vector_store %arg7[%swap3A, %swap3A_31], %add3A_30 {strides = array<i32>} : memref<1x16xf32, #tpu.memory_space<vmem>>, vector<1x16xf32>,
    return
  }
}

</mosaic_0001>

<sc_bundles>
// kernel: kernel.11.cloned.1.call-start
scs
__scs_entry_jumppad:
0x0: {  	(pc) =	sbr.rel $0x88, $3  }
0x1: {  	(tag) =	ssettag $0x0;
	lr =	simm.s32 $0x1  }
0x2: {  	[smem:$0x3F91] =	sst lr;
	_ =	strace $0xD0000000  }
0x3: {  	_ = 	snop  }
0x4: {  	_ = 	snop  }
0x5: {  	_ = 	snop  }
0x6: {  	_ = 	snop  }
0x7: {  	_ = 	snop  }
__scs_overlays_trampoline_lowered:
0x8: {  	[smem:$0x3FA0] =	sst s0  }
0x9: {  	[smem:$0x3FA1] =	sst s1  }
0xa: {  	[smem:$0x3FA2] =	sst s2  }
0xb: {  	[smem:$0x3FA3] =	sst s3  }
0xc: {  	[smem:$0x3FA4] =	sst s4  }
0xd: {  	[smem:$0x3FA5] =	sst s5  }
0xe: {  	[smem:$0x3FA6] =	sst s6  }
0xf: {  	[smem:$0x3FA7] =	sst s7  }
0x10: {  	[smem:$0x3FA8] =	sst s8  }
0x11: {  	[smem:$0x3FA9] =	sst s9;
	s0 =	simm.s32 @!p0 $0x0  }
0x12: {  	s1 =	sld [smem:$0x3F8F];
	s0 =	simm.s32 @p0 $0x1  }
0x13: {  	[smem:$0x3FAA] =	sst s0;
	s0 =	simm.s32 @!p1 $0x0  }
0x14: {  	s2 =	sld [smem:$0x3F8E];
	s0 =	simm.s32 @p1 $0x1  }
0x15: {  	[smem:$0x3FAB] =	sst s0;
	s0 =	simm.s32 @!p2 $0x0  }
0x16: {  	s3 =	sld [smem:$0x3FDB];
	s0 =	simm.s32 @p2 $0x1  }
0x17: {  	s4 =	simm.s32 $0x1BF5;
	[smem:$0x3FAD] =	sst s0  }
0x18: {  	s0 =	sld [smem:$0x3F90];
	_ =	swait.ge [sflag:s4], $0x0  }
0x19: {  	s7 =	sld [smem:$0x3F91]  }
0x1a: {  	s8 =	sadd.s32 $0xFFFFE003, lr  }
0x1b: {  	s9 =	sadd.s32 $0xFFFFFEF7, lr;
	s5 =	simm.s32 $0xFFFFFFFF;
	p2 =	slt.u32 s8, $0xFFFFF086  }
0x1c: {  	p1 =	slt.u32 s9, $0xF7A;
	s5 =	simm.s32 @!p2 $0x0  }
0x1d: {  	s5 =	simm.s32 @p1 $0x1;
	p0 =	seq.s32 s7, s2  }
0x1e: {  	s7 =	smul.u32 @!p0 $0xF7A, s2;
	p2 =	seq.s32 @!p0 s5, $0x0  }
0x1f: {  	s9 =	smul.u32 $0xF7A, s1;
	s8 =	simm.s32 @!p0 $0x1BF5;
	p2 =	por !p2, p0  }
0x20: {  	[sflag:s8] =	ssyncset.s32 @!p0 $0xFFFFF086;
	s6 =	sadd.s32 @!p0 s3, s7;
	s7 =	simm.s32 @!p0 $0x108  }
0x21: {  	s3 =	sadd.s32 s3, s9;
	s6 =	sadd.s32 @!p0 $0x88, s6;
	s7 =	simm.s32 @p2 $0x1082  }
0x22: {  	[simem:s7], [sflag:s8] =	dma.local @!p0 [hbm:s6], $0xF7A  }
0x23: {  	s9 =	sor.u32 $0xD0000000, s2;
	s6 =	simm.s32 $0x108;
	_ =	swait.ge @!p0 [sflag:s8], $0x0  }
0x24: {  	s3 =	sadd.s32 $0x88, s3;
	s6 =	simm.s32 @!p1 $0x1082;
	[sflag:s4] =	ssyncset.s32 $0xFFFFF086  }
0x25: {  	[simem:s6], [sflag:s4] =	dma.local [hbm:s3], $0xF7A  }
0x26: {  	[smem:$0x3F91] =	sst s1;
	(tag) =	ssettag s2;
	_ =	strace s9  }
0x27: {  	s1 =	sld [smem:$0x3FA1]  }
0x28: {  	s2 =	sld [smem:$0x3FA2]  }
0x29: {  	s4 =	sld [smem:$0x3FA4]  }
0x2a: {  	p0 =	seq.s32 s5, $0x0;
	s5 =	sld [smem:$0x3FA5]  }
0x2b: {  	s6 =	sld [smem:$0x3FA6]  }
0x2c: {  	s7 =	sld [smem:$0x3FA7]  }
0x2d: {  	s3 =	simm.s32 $0x108;
	s8 =	sld [smem:$0x3FA8]  }
0x2e: {  	s3 =	simm.s32 @!p0 $0x1082;
	s9 =	sld [smem:$0x3FA9]  }
0x2f: {  	lr =	sadd.s32 s0, s3;
	s0 =	sld [smem:$0x3FA0]  }
0x30: {  	s3 =	sld [smem:$0x3FA3]  }
0x31: {  	[smem:$0x3FAC] =	sst s10  }
0x32: {  	s10 =	sld [smem:$0x3FAA];
	_ =	sdelay $0x3  }
0x33: {  	p0 =	seq.s32 s10, $0x1;
	s10 =	sld [smem:$0x3FAC];
	_ =	sdelay $0x3  }
0x34: {  	[smem:$0x3FAC] =	sst s10  }
0x35: {  	s10 =	sld [smem:$0x3FAB];
	_ =	sdelay $0x3  }
0x36: {  	p1 =	seq.s32 s10, $0x1;
	s10 =	sld [smem:$0x3FAC];
	_ =	sdelay $0x3  }
0x37: {  	[smem:$0x3FAC] =	sst s10  }
0x38: {  	s10 =	sld [smem:$0x3FAD]  }
0x39: {  	_ = 	snop;
	(pc) =	sbr.ind lr, $3  }
0x3a: {  	_ = 	snop  }
0x3b: {  	_ = 	snop  }
0x3c: {  	p2 =	seq.s32 s10, $0x1;
	s10 =	sld [smem:$0x3FAC]  }
0x3d: {  	_ =	shalt  }
0x3e: {  	_ =	shalt  }
0x3f: {  	_ =	shalt  }
0x40: {  	_ =	shalt  }
0x41: {  	_ =	shalt  }
0x42: {  	_ =	shalt  }
0x43: {  	_ =	shalt  }
0x44: {  	_ =	shalt  }
0x45: {  	_ =	shalt  }
0x46: {  	_ =	shalt  }
0x47: {  	_ =	shalt  }
0x48: {  	_ =	shalt  }
0x49: {  	_ =	shalt  }
0x4a: {  	_ =	shalt  }
0x4b: {  	_ =	shalt  }
0x4c: {  	_ =	shalt  }
0x4d: {  	_ =	shalt  }
0x4e: {  	_ =	shalt  }
0x4f: {  	_ =	shalt  }
0x50: {  	_ =	shalt  }
0x51: {  	_ =	shalt  }
0x52: {  	_ =	shalt  }
0x53: {  	_ =	shalt  }
0x54: {  	_ =	shalt  }
0x55: {  	_ =	shalt  }
0x56: {  	_ =	shalt  }
0x57: {  	_ =	shalt  }
0x58: {  	_ =	shalt  }
0x59: {  	_ =	shalt  }
0x5a: {  	_ =	shalt  }
0x5b: {  	_ =	shalt  }
0x5c: {  	_ =	shalt  }
0x5d: {  	_ =	shalt  }
0x5e: {  	_ =	shalt  }
0x5f: {  	_ =	shalt  }
0x60: {  	_ =	shalt  }
0x61: {  	_ =	shalt  }
0x62: {  	_ =	shalt  }
0x63: {  	_ =	shalt  }
0x64: {  	_ =	shalt  }
0x65: {  	_ =	shalt  }
0x66: {  	_ =	shalt  }
0x67: {  	_ =	shalt  }
0x68: {  	_ =	shalt  }
0x69: {  	_ =	shalt  }
0x6a: {  	_ =	shalt  }
0x6b: {  	_ =	shalt  }
0x6c: {  	_ =	shalt  }
0x6d: {  	_ =	shalt  }
0x6e: {  	_ =	shalt  }
0x6f: {  	_ =	shalt  }
0x70: {  	_ =	shalt  }
0x71: {  	_ =	shalt  }
0x72: {  	_ =	shalt  }
0x73: {  	_ =	shalt  }
0x74: {  	_ =	shalt  }
0x75: {  	_ =	shalt  }
0x76: {  	_ =	shalt  }
0x77: {  	_ =	shalt  }
0x78: {  	_ =	shalt  }
0x79: {  	_ =	shalt  }
0x7a: {  	_ =	shalt  }
0x7b: {  	_ =	shalt  }
0x7c: {  	_ =	shalt  }
0x7d: {  	_ =	shalt  }
0x7e: {  	_ =	shalt  }
0x7f: {  	_ =	shalt  }
0x80: {  	_ =	shalt  }
0x81: {  	_ =	shalt  }
0x82: {  	_ =	shalt  }
0x83: {  	_ =	shalt  }
0x84: {  	_ =	shalt  }
0x85: {  	_ =	shalt  }
0x86: {  	_ =	shalt  }
0x87: {  	_ =	shalt  }
.Lfunc_end0:
.L_simem_size_0:
called_computation.1_lowered:
.L_overlay_start_0:
0x88: {  	s2 =	sld [smem:$0x3FD9]  }
0x89: {  	s3 =	sld [smem:$0x3FFE];
	_ =	sdelay $0x1  }
0x8a: {  	s1 =	srdreg.scid  }
0x8b: {  	s0 =	sand.u32 $0x1, s1  }
0x8c: {  	s14 =	sshll.u32 s0, $0xA;
	s2 =	sadd.s32 s3, s2  }
0x8d: {  	s2 =	sadd.s32 s2, s14  }
0x8e: {  	[smem:$0x3FB8] =	sst s2  }
0x8f: {  	_ = 	snop  }
0x90: {  	s2 =	sld [smem:$0x3FD0];
	_ =	sdelay $0x2  }
0x91: {  	s15 =	simm.s32 $0xA;
	s4 =	simm.s32 $0x10  }
0x92: {  	[smem:s4], [sflag:s15] =	dma.local [hbm:s2], $0x1  }
0x93: {  	_ =	swait.eq [sflag:s15], $0x1  }
0x94: {  	[sflag:s15] =	ssyncset.done $0x0  }
0x95: {  	[sflag:s15] =	ssyncadd.s32 $0xFFFFFFFF  }
0x96: {  	s16 =	sld [smem:$0x10];
	(tm) =	ssettm $0x1  }
0x97: {  	s17 =	sld [smem:$0x3FFB];
	_ =	sdelay $0x3  }
0x98: {  	_ =	strace s17  }
0x99: {  	s3 =	sld [smem:$0x3FFC];
	_ =	sdelay $0x3  }
0x9a: {  	_ =	strace s3  }
0x9b: {  	s3 =	sld [smem:$0x3FFD];
	_ =	sdelay $0x3  }
0x9c: {  	_ =	strace s3  }
0x9d: {  	_ =	strace $0x8FFFFFFF  }
0x9e: {  	s18 =	sld [smem:$0x3FDB];
	_ =	sdelay $0x1  }
0x9f: {  	s19 =	simm.s32 $_scs_section_size  }
0xa0: {  	s5 =	simm.s32 $_size__tile_overlayer_lowered;
	s6 =	simm.s32 $_tile_overlayer_lowered  }
0xa1: {  	s22 =	simm.s32 $0x1BFF;
	s21 =	sshll.u32 s6, $0x1;
	s3 =	sadd.s32 s19, s18  }
0xa2: {  	s7 =	simm.s32 $0x0;
	s20 =	sshll.u32 s5, $0x1;
	s5 =	sadd.s32 s21, s3  }
0xa3: {  	[timem:s7], [sflag:s22] =	dma.local [hbm:s5], s20  }
0xa4: {  	_ =	swait.ge [sflag:s22], s20  }
0xa5: {  	s4 =	ssub.s32 $0x0, s20;
	[sflag:s22] =	ssyncset.done $0x0  }
0xa6: {  	[sflag:s22] =	ssyncadd.s32 s4;
	_ =	sdelay $0x1  }
0xa7: {  	s23 =	simm.s32 $0x1B8B  }
0xa8: {  	_ =	swait.ge [sflag:s23], $0x1  }
0xa9: {  	[sflag:s23] =	ssyncset.done $0x0  }
0xaa: {  	s25 =	simm.s32 $0x1B8E;
	s24 =	sld [smem:$0x3FFE];
	[sflag:s23] =	ssyncadd.s32 $0xFFFFFFFF  }
0xab: {  	s26 =	simm.s32 $execute0_lowered;
	[smem:$0x3FD2] =	sst s25  }
0xac: {  	s5 =	sshll.u32 s26, $0x1;
	_ =	strace $0x80000049;
	[dreg:$0x1] =	wrdreg $0xFFFFFFFF  }
0xad: {  	s28 =	simm.s32 $_size_execute0_lowered;
	s3 =	sadd.s32 s3, s5;
	[dreg:$0x0] =	wrdreg $0x0  }
0xae: {  	s5 =	sshll.u32 s28, $0x1;
	[dreg:$0x2] =	wrdreg s3  }
0xaf: {  	[dreg:$0x3] =	wrdreg s5  }
0xb0: {  	[dreg:$0x4] =	wrdreg $0xC0  }
0xb1: {  	_ =	task [dreg:s7], $0x5FFFF  }
0xb2: {  	[dreg:$0x1] =	wrdreg $0xFFFFFFFF  }
0xb3: {  	[dreg:$0x0] =	wrdreg $0x60  }
0xb4: {  	[dreg:$0x2] =	wrdreg s24  }
0xb5: {  	[dreg:$0x3] =	wrdreg s16  }
0xb6: {  	[dreg:$0x4] =	wrdreg $0x5500  }
0xb7: {  	[dreg:$0x5] =	wrdreg $0x9  }
0xb8: {  	_ =	task.clear_ibuf [dreg:s7], $0x6FFFF;
	_ =	strace $0x90000049  }
0xb9: {  	s29 =	simm.s32 $0x9;
	_ =	strace $0x8000004B  }
0xba: {  	_ =	swait.ge [sflag:s29], $0x1  }
0xbb: {  	[sflag:s29] =	ssyncadd.s32 $0xFFFFFFFF  }
0xbc: {  	_ =	strace $0x9000004B  }
0xbd: {  	_ =	sfence  }
0xbe: {  	s30 =	sld [smem:$0x0];
	_ =	sdelay $0x2  }
0xbf: {  	s31 =	sshll.u32 s1, $0xD;
	s1 =	sshrl.u32 s1, $0x2  }
0xc0: {  	s3 =	sand.u32 $0x4000, s31;
	s1 =	sadd.s32 s1, s30  }
0xc1: {  	s0 =	sor.u32 s3, s0;
	s1 =	sshll.u32 s1, $0x11  }
0xc2: {  	s0 =	sor.u32 s1, s0  }
0xc3: {  	s0 =	sadd.s32 $0x8F2B, s0  }
0xc4: {  	[sflag:s0] =	ssyncadd.remote.s32 $0x1  }
0xc5: {  	_ =	sfence.sel $0xFFFF  }
0xc6: {  	[dreg:$0x0] =	wrdreg $0xFFFFFFFF;
	(pc) =	sbr.abs _section_cstart, $3  }
0xc7: {  	[dreg:$0x1] =	wrdreg $0xFFFFFFFF  }
0xc8: {  	_ =	task.clear_ibuf [dreg:s7], $0x2FFFF;
	_ =	strace $0x9FFFFFFF  }
0xc9: {  	(tm) =	ssettm $0x7FFFFFFF  }
tec
execute0_lowered:
.L_overlay_start_1:
0x0: {  	(tag) =	ssettag $0x1  }
0x1: {  	s3 =	rddreg [dreg:$0x0];
	s0 =	srdreg.scid  }
0x2: {  	s6 =	stileid.u32;
	s4 =	rddreg [dreg:$0x1]  }
0x3: {  	s1 =	rddreg [dreg:$0x2];
	s2 =	simm.s32 $0x0;
	s7 =	smul.u32 $0x4E200, s6  }
0x4: {  	s5 =	sand.u32 $0x1, s0;
	s0 =	rddreg [dreg:$0x3];
	s9 =	smul.u32 $0x4E20, s6  }
0x5: {  	s11 =	simm.s32 $0x0;
	[smem:$0x7FF] =	sst s2;
	s8 =	smul.u32 $0x27100, s5  }
0x6: {  	p0 =	sne.s32 s6, $0x0;
	s30 =	smul.u32 $0x2710, s5;
	s31 =	ssub.s32 $0x2, s5  }
0x7: {  	_ =	strace $0x8000004A;
	s5 =	smul.u32 $0x5000, s5;
	s10 =	sshrl.u32 s31, $0x1  }
0x8: {  	s7 =	sadd.s32 s8, s7;
	s8 =	sadd.s32 s30, s9;
	s9 =	ssub.s32 s31, s10  }
0x9: {  	s4 =	sadd.s32 s4, s5;
	s10 =	simm.s32 $0x50;
	s7 =	sshrl.u32 s7, $0x3  }
0xa: {  	s8 =	sshrl.u32 s8, $0x3;
	s5 =	smax.u32 s9, $0x1;
	s9 =	simm.s32 $0x1  }
0xb: {  	s7 =	sadd.s32 s7, s3;
	s8 =	sadd.s32 s8, s3;
	s3 =	sadd.s32 $0xAAE00, s3  }
0xc: {  	s6 =	sadd.s32 $0xEA00, s7;
	s7 =	sadd.s32 $0x4C00, s8;
	s8 =	sshrl.u32 @!p0 s1, $0x3  }
.LBB2_1:
0xd: {  	s12 =	simm.s32 @!p0 $0x1C01  }
0xe: {  	[spmem:s8], [sflag:s12] =	dma.local @!p0 [hbm:s3], $0x5000  }
0xf: {  	s12 =	simm.s32 @!p0 $0x1  }
0x10: {  	_ =	swait.ge @!p0 [sflag:s12], $0x5000  }
0x11: {  	[sflag:s12] =	ssyncset.done @!p0 $0x0  }
0x12: {  	[sflag:s12] =	ssyncadd.s32 @!p0 $0xFFFFB000  }
0x13: {  	s31 =	sadd.s32 $0x0, s7;
	[bflag:$0x0] =	sbarrier.arrive $0xFFFF  }
0x14: {  	[tilespmem:s2], [sflag:$0x1] =	stream.linear.gather [hbm4b:s31+s2], $0x50, $0x38;
	[tilespmem:$0x2D50] =	vst v63  }
0x15: {  	_ =	swait.ge [sflag:s9], $0x50  }
0x16: {  	[sflag:s9] =	ssyncset.done $0x0  }
0x17: {  	[sflag:s9] =	ssyncadd.s32 $0xFFFFFFB0  }
0x18: {  	[tilespmem:s10], [sflag:$0x1] =	stream.linear.gather [hbm4b:s6+s2], $0x500, $0x38;
	[tilespmem:$0x2D50] =	vst v63  }
0x19: {  	_ =	swait.ge [sflag:s9], $0x500  }
0x1a: {  	[sflag:s9] =	ssyncset.done $0x0  }
0x1b: {  	[sflag:s9] =	ssyncadd.s32 $0xFFFFFB00  }
0x1c: {  	[spmem:s1] =	stream.indirect.scatter.add.f32 [tilespmem:s10], [sflag:$0x1], $0x10, s2, s10, $0xb8;
	[tilespmem:$0x2D50] =	vst v63  }
0x1d: {  	s13 =	simm.s32 $0xA;
	_ =	swait.ge [sflag:s9], $0x500  }
0x1e: {  	s14 =	simm.s32 $0x14;
	s12 =	sadd.s32 $0xA0, s6;
	[sflag:s9] =	ssyncset.done $0x0  }
.LBB2_2:
0x1f: {  	s15 =	sadd.s32 s13, s7  }
0x20: {  	[sflag:s9] =	ssyncadd.s32 $0xFFFFFB00;
	s13 =	smov.u32 s14;
	s16 =	sadd.s32 $0xA, s14  }
0x21: {  	[tilespmem:s2], [sflag:$0x1] =	stream.linear.gather [hbm4b:s15+s2], $0x50, $0x38;
	[tilespmem:$0x2D50] =	vst v63  }
0x22: {  	p1 =	sne.s32 s14, $0x4D8;
	_ =	swait.ge [sflag:s9], $0x50  }
0x23: {  	[sflag:s9] =	ssyncset.done $0x0  }
0x24: {  	[sflag:s9] =	ssyncadd.s32 $0xFFFFFFB0  }
0x25: {  	[tilespmem:s10], [sflag:$0x1] =	stream.linear.gather [hbm4b:s12+s2], $0x500, $0x38;
	[tilespmem:$0x2D50] =	vst v63  }
0x26: {  	_ =	swait.ge [sflag:s9], $0x500  }
.Ltmp0:
0x27: {  	[sflag:s9] =	ssyncset.done $0x0;
	(pc) =	sbr.rel @p1 .LBB2_2-.Ltmp0, $4  }
0x28: {  	[sflag:s9] =	ssyncadd.s32 $0xFFFFFB00  }
0x29: {  	[spmem:s1] =	stream.indirect.scatter.add.f32 [tilespmem:s10], [sflag:$0x1], $0x10, s2, s10, $0xb8;
	[tilespmem:$0x2D50] =	vst v63  }
0x2a: {  	_ =	swait.ge [sflag:s9], $0x500  }
0x2b: {  	s14 =	smov.u32 s16;
	s12 =	sadd.s32 $0xA0, s12;
	[sflag:s9] =	ssyncset.done $0x0  }
0x2c: {  	s13 =	sadd.s32 s13, s7;
	[sflag:s9] =	ssyncadd.s32 $0xFFFFFB00  }
0x2d: {  	[tilespmem:s2], [sflag:$0x1] =	stream.linear.gather [hbm4b:s13+s2], $0x50, $0x38;
	[tilespmem:$0x2D50] =	vst v63  }
0x2e: {  	_ =	swait.ge [sflag:s9], $0x50  }
0x2f: {  	[sflag:s9] =	ssyncset.done $0x0  }
0x30: {  	[sflag:s9] =	ssyncadd.s32 $0xFFFFFFB0  }
0x31: {  	[tilespmem:s10], [sflag:$0x1] =	stream.linear.gather [hbm4b:s12+s2], $0x500, $0x38;
	[tilespmem:$0x2D50] =	vst v63  }
0x32: {  	_ =	swait.ge [sflag:s9], $0x500  }
0x33: {  	[sflag:s9] =	ssyncset.done $0x0  }
0x34: {  	[sflag:s9] =	ssyncadd.s32 $0xFFFFFB00  }
0x35: {  	[spmem:s1] =	stream.indirect.scatter.add.f32 [tilespmem:s10], [sflag:$0x1], $0x10, s2, s10, $0xb8;
	[tilespmem:$0x2D50] =	vst v63  }
0x36: {  	_ =	swait.ge [sflag:s9], $0x500  }
0x37: {  	[sflag:s9] =	ssyncset.done $0x0  }
0x38: {  	s11 =	sadd.s32 $0x1, s11;
	[sflag:s9] =	ssyncadd.s32 $0xFFFFFB00  }
0x39: {  	p1 =	sne.s32 s11, s5;
	s12 =	simm.s32 @!p0 $0x1C01;
	[bflag:$0x0] =	sbarrier.arrive $0xFFFF  }
0x3a: {  	[hbm:s4], [sflag:s12] =	dma.local @!p0 [spmem:s8], $0x5000  }
.Ltmp1:
0x3b: {  	_ = 	snop;
	(pc) =	sbr.rel @p1 .LBB2_1-.Ltmp1, $4  }
0x3c: {  	s12 =	simm.s32 @!p0 $0x1  }
0x3d: {  	_ =	swait.ge @!p0 [sflag:s12], $0x5000  }
0x3e: {  	[sflag:s12] =	ssyncset.done @!p0 $0x0  }
0x3f: {  	[sflag:s12] =	ssyncadd.s32 @!p0 $0xFFFFB000  }
0x40: {  	_ =	sfence.sel $0x180000  }
0x41: {  	[bflag:$0x0] =	sbarrier.arrive $0xFFFF  }
0x42: {  	_ =	strace $0x9000004A  }
0x43: {  	s0 =	sadd.s32 @!p0 $0x100000, s0;
	[bflag:$0x2] =	sbarrier.arrive $0xFFFF  }
0x44: {  	[sflag:s0] =	ssyncadd.tile.s32 @!p0 $0x1;
	_ =	shalt  }
.Lfunc_end2:
_tile_overlayer_lowered:
.L_overlay_start_2:
0x45: {  	(tag) =	ssettag $0x2  }
0x46: {  	s0 =	rddreg [dreg:$0x0];
	s2 =	stileid.u32  }
0x47: {  	s1 =	rddreg [dreg:$0x1];
	p0 =	sne.s32 s2, $0x0  }
0x48: {  	s3 =	rddreg [dreg:$0x2];
	[bflag:$0x3] =	sbarrier.arrive $0xFFFF;
	s2 =	simm.s32 @!p0 $0x1C01  }
0x49: {  	[timem:s3], [sflag:s2] =	dma.local @!p0 [hbm:s0], s1  }
0x4a: {  	s0 =	simm.s32 @!p0 $0x1  }
0x4b: {  	_ =	swait.ge @!p0 [sflag:s0], s1  }
0x4c: {  	s1 =	ssub.s32 @!p0 $0x0, s1;
	[sflag:s0] =	ssyncset.done @!p0 $0x0  }
0x4d: {  	[sflag:s0] =	ssyncadd.s32 @!p0 s1  }
0x4e: {  	[bflag:$0x3] =	sbarrier.arrive $0xFFFF  }
0x4f: {  	_ =	shalt  }

// kernel: kernel.8.cloned.1.call-start
scs
__scs_entry_jumppad:
0x0: {  	(pc) =	sbr.rel $0x88, $3  }
0x1: {  	(tag) =	ssettag $0x0;
	lr =	simm.s32 $0x1  }
0x2: {  	[smem:$0x3F91] =	sst lr;
	_ =	strace $0xD0000000  }
0x3: {  	_ = 	snop  }
0x4: {  	_ = 	snop  }
0x5: {  	_ = 	snop  }
0x6: {  	_ = 	snop  }
0x7: {  	_ = 	snop  }
__scs_overlays_trampoline_lowered:
0x8: {  	[smem:$0x3FA0] =	sst s0  }
0x9: {  	[smem:$0x3FA1] =	sst s1  }
0xa: {  	[smem:$0x3FA2] =	sst s2  }
0xb: {  	[smem:$0x3FA3] =	sst s3  }
0xc: {  	[smem:$0x3FA4] =	sst s4  }
0xd: {  	[smem:$0x3FA5] =	sst s5  }
0xe: {  	[smem:$0x3FA6] =	sst s6  }
0xf: {  	[smem:$0x3FA7] =	sst s7  }
0x10: {  	[smem:$0x3FA8] =	sst s8  }
0x11: {  	[smem:$0x3FA9] =	sst s9;
	s0 =	simm.s32 @!p0 $0x0  }
0x12: {  	s1 =	sld [smem:$0x3F8F];
	s0 =	simm.s32 @p0 $0x1  }
0x13: {  	[smem:$0x3FAA] =	sst s0;
	s0 =	simm.s32 @!p1 $0x0  }
0x14: {  	s2 =	sld [smem:$0x3F8E];
	s0 =	simm.s32 @p1 $0x1  }
0x15: {  	[smem:$0x3FAB] =	sst s0;
	s0 =	simm.s32 @!p2 $0x0  }
0x16: {  	s3 =	sld [smem:$0x3FDB];
	s0 =	simm.s32 @p2 $0x1  }
0x17: {  	s4 =	simm.s32 $0x1BF5;
	[smem:$0x3FAD] =	sst s0  }
0x18: {  	s0 =	sld [smem:$0x3F90];
	_ =	swait.ge [sflag:s4], $0x0  }
0x19: {  	s7 =	sld [smem:$0x3F91]  }
0x1a: {  	s8 =	sadd.s32 $0xFFFFE003, lr  }
0x1b: {  	s9 =	sadd.s32 $0xFFFFFEF7, lr;
	s5 =	simm.s32 $0xFFFFFFFF;
	p2 =	slt.u32 s8, $0xFFFFF086  }
0x1c: {  	p1 =	slt.u32 s9, $0xF7A;
	s5 =	simm.s32 @!p2 $0x0  }
0x1d: {  	s5 =	simm.s32 @p1 $0x1;
	p0 =	seq.s32 s7, s2  }
0x1e: {  	s7 =	smul.u32 @!p0 $0xF7A, s2;
	p2 =	seq.s32 @!p0 s5, $0x0  }
0x1f: {  	s9 =	smul.u32 $0xF7A, s1;
	s8 =	simm.s32 @!p0 $0x1BF5;
	p2 =	por !p2, p0  }
0x20: {  	[sflag:s8] =	ssyncset.s32 @!p0 $0xFFFFF086;
	s6 =	sadd.s32 @!p0 s3, s7;
	s7 =	simm.s32 @!p0 $0x108  }
0x21: {  	s3 =	sadd.s32 s3, s9;
	s6 =	sadd.s32 @!p0 $0x88, s6;
	s7 =	simm.s32 @p2 $0x1082  }
0x22: {  	[simem:s7], [sflag:s8] =	dma.local @!p0 [hbm:s6], $0xF7A  }
0x23: {  	s9 =	sor.u32 $0xD0000000, s2;
	s6 =	simm.s32 $0x108;
	_ =	swait.ge @!p0 [sflag:s8], $0x0  }
0x24: {  	s3 =	sadd.s32 $0x88, s3;
	s6 =	simm.s32 @!p1 $0x1082;
	[sflag:s4] =	ssyncset.s32 $0xFFFFF086  }
0x25: {  	[simem:s6], [sflag:s4] =	dma.local [hbm:s3], $0xF7A  }
0x26: {  	[smem:$0x3F91] =	sst s1;
	(tag) =	ssettag s2;
	_ =	strace s9  }
0x27: {  	s1 =	sld [smem:$0x3FA1]  }
0x28: {  	s2 =	sld [smem:$0x3FA2]  }
0x29: {  	s4 =	sld [smem:$0x3FA4]  }
0x2a: {  	p0 =	seq.s32 s5, $0x0;
	s5 =	sld [smem:$0x3FA5]  }
0x2b: {  	s6 =	sld [smem:$0x3FA6]  }
0x2c: {  	s7 =	sld [smem:$0x3FA7]  }
0x2d: {  	s3 =	simm.s32 $0x108;
	s8 =	sld [smem:$0x3FA8]  }
0x2e: {  	s3 =	simm.s32 @!p0 $0x1082;
	s9 =	sld [smem:$0x3FA9]  }
0x2f: {  	lr =	sadd.s32 s0, s3;
	s0 =	sld [smem:$0x3FA0]  }
0x30: {  	s3 =	sld [smem:$0x3FA3]  }
0x31: {  	[smem:$0x3FAC] =	sst s10  }
0x32: {  	s10 =	sld [smem:$0x3FAA];
	_ =	sdelay $0x3  }
0x33: {  	p0 =	seq.s32 s10, $0x1;
	s10 =	sld [smem:$0x3FAC];
	_ =	sdelay $0x3  }
0x34: {  	[smem:$0x3FAC] =	sst s10  }
0x35: {  	s10 =	sld [smem:$0x3FAB];
	_ =	sdelay $0x3  }
0x36: {  	p1 =	seq.s32 s10, $0x1;
	s10 =	sld [smem:$0x3FAC];
	_ =	sdelay $0x3  }
0x37: {  	[smem:$0x3FAC] =	sst s10  }
0x38: {  	s10 =	sld [smem:$0x3FAD]  }
0x39: {  	_ = 	snop;
	(pc) =	sbr.ind lr, $3  }
0x3a: {  	_ = 	snop  }
0x3b: {  	_ = 	snop  }
0x3c: {  	p2 =	seq.s32 s10, $0x1;
	s10 =	sld [smem:$0x3FAC]  }
0x3d: {  	_ =	shalt  }
0x3e: {  	_ =	shalt  }
0x3f: {  	_ =	shalt  }
0x40: {  	_ =	shalt  }
0x41: {  	_ =	shalt  }
0x42: {  	_ =	shalt  }
0x43: {  	_ =	shalt  }
0x44: {  	_ =	shalt  }
0x45: {  	_ =	shalt  }
0x46: {  	_ =	shalt  }
0x47: {  	_ =	shalt  }
0x48: {  	_ =	shalt  }
0x49: {  	_ =	shalt  }
0x4a: {  	_ =	shalt  }
0x4b: {  	_ =	shalt  }
0x4c: {  	_ =	shalt  }
0x4d: {  	_ =	shalt  }
0x4e: {  	_ =	shalt  }
0x4f: {  	_ =	shalt  }
0x50: {  	_ =	shalt  }
0x51: {  	_ =	shalt  }
0x52: {  	_ =	shalt  }
0x53: {  	_ =	shalt  }
0x54: {  	_ =	shalt  }
0x55: {  	_ =	shalt  }
0x56: {  	_ =	shalt  }
0x57: {  	_ =	shalt  }
0x58: {  	_ =	shalt  }
0x59: {  	_ =	shalt  }
0x5a: {  	_ =	shalt  }
0x5b: {  	_ =	shalt  }
0x5c: {  	_ =	shalt  }
0x5d: {  	_ =	shalt  }
0x5e: {  	_ =	shalt  }
0x5f: {  	_ =	shalt  }
0x60: {  	_ =	shalt  }
0x61: {  	_ =	shalt  }
0x62: {  	_ =	shalt  }
0x63: {  	_ =	shalt  }
0x64: {  	_ =	shalt  }
0x65: {  	_ =	shalt  }
0x66: {  	_ =	shalt  }
0x67: {  	_ =	shalt  }
0x68: {  	_ =	shalt  }
0x69: {  	_ =	shalt  }
0x6a: {  	_ =	shalt  }
0x6b: {  	_ =	shalt  }
0x6c: {  	_ =	shalt  }
0x6d: {  	_ =	shalt  }
0x6e: {  	_ =	shalt  }
0x6f: {  	_ =	shalt  }
0x70: {  	_ =	shalt  }
0x71: {  	_ =	shalt  }
0x72: {  	_ =	shalt  }
0x73: {  	_ =	shalt  }
0x74: {  	_ =	shalt  }
0x75: {  	_ =	shalt  }
0x76: {  	_ =	shalt  }
0x77: {  	_ =	shalt  }
0x78: {  	_ =	shalt  }
0x79: {  	_ =	shalt  }
0x7a: {  	_ =	shalt  }
0x7b: {  	_ =	shalt  }
0x7c: {  	_ =	shalt  }
0x7d: {  	_ =	shalt  }
0x7e: {  	_ =	shalt  }
0x7f: {  	_ =	shalt  }
0x80: {  	_ =	shalt  }
0x81: {  	_ =	shalt  }
0x82: {  	_ =	shalt  }
0x83: {  	_ =	shalt  }
0x84: {  	_ =	shalt  }
0x85: {  	_ =	shalt  }
0x86: {  	_ =	shalt  }
0x87: {  	_ =	shalt  }
.Lfunc_end0:
.L_simem_size_0:
called_computation_lowered:
.L_overlay_start_0:
0x88: {  	s2 =	sld [smem:$0x3FD9]  }
0x89: {  	s3 =	sld [smem:$0x3FFE];
	_ =	sdelay $0x1  }
0x8a: {  	s1 =	srdreg.scid  }
0x8b: {  	s0 =	sand.u32 $0x1, s1  }
0x8c: {  	s14 =	sshll.u32 s0, $0xA;
	s2 =	sadd.s32 s3, s2  }
0x8d: {  	s2 =	sadd.s32 s2, s14  }
0x8e: {  	[smem:$0x3FB8] =	sst s2  }
0x8f: {  	_ = 	snop  }
0x90: {  	s2 =	sld [smem:$0x3FD0];
	_ =	sdelay $0x2  }
0x91: {  	s15 =	simm.s32 $0xA;
	s4 =	simm.s32 $0x10  }
0x92: {  	[smem:s4], [sflag:s15] =	dma.local [hbm:s2], $0x1  }
0x93: {  	_ =	swait.eq [sflag:s15], $0x1  }
0x94: {  	[sflag:s15] =	ssyncset.done $0x0  }
0x95: {  	s16 =	sld [smem:$0x10];
	[sflag:s15] =	ssyncadd.s32 $0xFFFFFFFF  }
0x96: {  	s17 =	sld [smem:$0x11];
	(tm) =	ssettm $0x1  }
0x97: {  	s18 =	sld [smem:$0x3FFB];
	_ =	sdelay $0x3  }
0x98: {  	_ =	strace s18  }
0x99: {  	s4 =	sld [smem:$0x3FFC];
	_ =	sdelay $0x3  }
0x9a: {  	_ =	strace s4  }
0x9b: {  	s4 =	sld [smem:$0x3FFD];
	_ =	sdelay $0x3  }
0x9c: {  	_ =	strace s4  }
0x9d: {  	_ =	strace $0x8FFFFFFF  }
0x9e: {  	s19 =	sld [smem:$0x3FDB];
	_ =	sdelay $0x1  }
0x9f: {  	s5 =	simm.s32 $_scs_section_size  }
0xa0: {  	s6 =	simm.s32 $_size__tile_overlayer_lowered;
	s7 =	simm.s32 $_tile_overlayer_lowered  }
0xa1: {  	s22 =	simm.s32 $0x1BFF;
	s21 =	sshll.u32 s7, $0x1;
	s4 =	sadd.s32 s5, s19  }
0xa2: {  	s8 =	simm.s32 $0x0;
	s20 =	sshll.u32 s6, $0x1;
	s6 =	sadd.s32 s21, s4  }
0xa3: {  	[timem:s8], [sflag:s22] =	dma.local [hbm:s6], s20  }
0xa4: {  	_ =	swait.ge [sflag:s22], s20  }
0xa5: {  	s5 =	ssub.s32 $0x0, s20;
	[sflag:s22] =	ssyncset.done $0x0  }
0xa6: {  	[sflag:s22] =	ssyncadd.s32 s5;
	_ =	sdelay $0x1  }
0xa7: {  	s23 =	simm.s32 $0x1B8B  }
0xa8: {  	_ =	swait.ge [sflag:s23], $0x1  }
0xa9: {  	[sflag:s23] =	ssyncset.done $0x0  }
0xaa: {  	s25 =	simm.s32 $0x1B8E;
	s24 =	sld [smem:$0x3FFE];
	[sflag:s23] =	ssyncadd.s32 $0xFFFFFFFF  }
0xab: {  	s26 =	simm.s32 $execute0_lowered;
	[smem:$0x3FD2] =	sst s25  }
0xac: {  	s6 =	sshll.u32 s26, $0x1;
	_ =	strace $0x80000046;
	[dreg:$0x1] =	wrdreg $0xFFFFFFFF  }
0xad: {  	s28 =	simm.s32 $_size_execute0_lowered;
	s4 =	sadd.s32 s4, s6;
	[dreg:$0x0] =	wrdreg $0x0  }
0xae: {  	s6 =	sshll.u32 s28, $0x1;
	[dreg:$0x2] =	wrdreg s4  }
0xaf: {  	[dreg:$0x3] =	wrdreg s6  }
0xb0: {  	[dreg:$0x4] =	wrdreg $0xC0  }
0xb1: {  	_ =	task [dreg:s8], $0x5FFFF  }
0xb2: {  	[dreg:$0x1] =	wrdreg $0xFFFFFFFF  }
0xb3: {  	[dreg:$0x0] =	wrdreg $0x60  }
0xb4: {  	[dreg:$0x2] =	wrdreg s16  }
0xb5: {  	[dreg:$0x3] =	wrdreg s17  }
0xb6: {  	[dreg:$0x4] =	wrdreg s24  }
0xb7: {  	[dreg:$0x5] =	wrdreg $0x9  }
0xb8: {  	_ =	task.clear_ibuf [dreg:s8], $0x6FFFF;
	_ =	strace $0x90000046  }
0xb9: {  	s29 =	simm.s32 $0x9;
	_ =	strace $0x80000048  }
0xba: {  	_ =	swait.ge [sflag:s29], $0x1  }
0xbb: {  	[sflag:s29] =	ssyncadd.s32 $0xFFFFFFFF  }
0xbc: {  	_ =	strace $0x90000048  }
0xbd: {  	_ =	sfence  }
0xbe: {  	s30 =	sld [smem:$0x0];
	_ =	sdelay $0x2  }
0xbf: {  	s31 =	sshll.u32 s1, $0xD;
	s1 =	sshrl.u32 s1, $0x2  }
0xc0: {  	s3 =	sand.u32 $0x4000, s31;
	s1 =	sadd.s32 s1, s30  }
0xc1: {  	s0 =	sor.u32 s3, s0;
	s1 =	sshll.u32 s1, $0x11  }
0xc2: {  	s0 =	sor.u32 s1, s0  }
0xc3: {  	s0 =	sadd.s32 $0x8F2B, s0  }
0xc4: {  	[sflag:s0] =	ssyncadd.remote.s32 $0x1  }
0xc5: {  	_ =	sfence.sel $0xFFFF  }
0xc6: {  	[dreg:$0x0] =	wrdreg $0xFFFFFFFF;
	(pc) =	sbr.abs _section_cstart, $3  }
0xc7: {  	[dreg:$0x1] =	wrdreg $0xFFFFFFFF  }
0xc8: {  	_ =	task.clear_ibuf [dreg:s8], $0x2FFFF;
	_ =	strace $0x9FFFFFFF  }
0xc9: {  	(tm) =	ssettm $0x7FFFFFFF  }
tec
execute0_lowered:
.L_overlay_start_1:
0x0: {  	(tag) =	ssettag $0x1  }
0x1: {  	s1 =	rddreg [dreg:$0x0]  }
0x2: {  	s2 =	rddreg [dreg:$0x1]  }
0x3: {  	s5 =	rddreg [dreg:$0x2]  }
0x4: {  	s0 =	rddreg [dreg:$0x3]  }
0x5: {  	s4 =	simm.s32 $0x0;
	s6 =	srdreg.scid;
	s3 =	stileid.u32  }
0x6: {  	s10 =	simm.s32 $0x3;
	s11 =	simm.s32 $0x4000;
	s12 =	simm.s32 $0x50  }
0x7: {  	s13 =	simm.s32 $0x8000;
	s14 =	simm.s32 $0xA800;
	s15 =	simm.s32 $0x1  }
0x8: {  	s16 =	simm.s32 $0x2;
	s17 =	simm.s32 $0x0;
	[smem:$0x7FF] =	sst s4  }
0x9: {  	s6 =	sand.u32 $0x1, s6;
	s7 =	sshll.u32 s3, $0xC;
	s9 =	smul.u32 $0x4E200, s3  }
0xa: {  	_ =	strace $0x80000047;
	s8 =	sshll.u32 s6, $0xB;
	s30 =	ssub.s32 $0x2, s6  }
0xb: {  	s6 =	smul.u32 $0x27100, s6;
	s7 =	sor.u32 s8, s7;
	s31 =	sshrl.u32 s30, $0x1  }
0xc: {  	s9 =	sadd.s32 s9, s5;
	s7 =	sadd.s32 s7, s5;
	s8 =	ssub.s32 s30, s31  }
0xd: {  	s9 =	sadd.s32 s6, s9;
	s5 =	sadd.s32 $0x1EA00, s7;
	s6 =	sadd.s32 $0xEA00, s7  }
0xe: {  	s7 =	smax.u32 s8, $0x1;
	s8 =	sadd.s32 $0x2EA00, s9;
	s9 =	sadd.s32 $0x510A00, s9  }
.LBB2_1:
0xf: {  	[tilespmem:s4], [sflag:$0x3] =	stream.linear.gather [hbm4b:s5+s4], $0x3E80, $0x38;
	[tilespmem:$0xD000] =	vst v63  }
0x10: {  	_ =	swait.ge [sflag:s10], $0x3E80  }
0x11: {  	[sflag:s10] =	ssyncset.done $0x0  }
0x12: {  	[sflag:s10] =	ssyncadd.s32 $0xFFFFC180  }
0x13: {  	[tilespmem:s11], [sflag:$0x3] =	stream.linear.gather [hbm4b:s6+s4], $0x3E80, $0x38;
	[tilespmem:$0xD000] =	vst v63  }
0x14: {  	_ =	swait.ge [sflag:s10], $0x3E80  }
0x15: {  	[sflag:s10] =	ssyncset.done $0x0  }
0x16: {  	s18 =	simm.s32 $0x0;
	[sflag:s10] =	ssyncadd.s32 $0xFFFFC180  }
0x17: {  	[tilespmem:s13], [sflag:$0x1] =	stream.indirect.gather [hbm4b:s1+s12], $0x80, s18, s12, $0xb8;
	[tilespmem:$0xD000] =	vst v63  }
0x18: {  	s31 =	simm.s32 $0x4000  }
0x19: {  	[tilespmem:s14], [sflag:$0x2] =	stream.indirect.gather [hbm4b:s2+s12], $0x80, s31, s12, $0xb8;
	[tilespmem:$0xD000] =	vst v63  }
0x1a: {  	_ =	swait.ge [sflag:s15], $0x2800  }
0x1b: {  	[sflag:s15] =	ssyncset.done $0x0  }
0x1c: {  	[sflag:s15] =	ssyncadd.s32 $0xFFFFD800  }
0x1d: {  	_ =	swait.ge [sflag:s16], $0x2800  }
0x1e: {  	[sflag:s16] =	ssyncset.done $0x0  }
0x1f: {  	[sflag:s16] =	ssyncadd.s32 $0xFFFFD800  }
0x20: {  	[hbm4b:s8+s4] =	stream.linear.scatter [tilespmem:s13], [sflag:$0x3], $0x2800, $0x38;
	[tilespmem:$0xD000] =	vst v63  }
0x21: {  	_ =	swait.ge [sflag:s10], $0x2800  }
0x22: {  	[sflag:s10] =	ssyncset.done $0x0  }
0x23: {  	[sflag:s10] =	ssyncadd.s32 $0xFFFFD800  }
0x24: {  	[hbm4b:s9+s4] =	stream.linear.scatter [tilespmem:s14], [sflag:$0x3], $0x2800, $0x38;
	[tilespmem:$0xD000] =	vst v63  }
0x25: {  	s20 =	simm.s32 $0x200;
	s21 =	simm.s32 $0x400;
	_ =	swait.ge [sflag:s10], $0x2800  }
0x26: {  	s19 =	sadd.s32 $0x500, s8;
	s18 =	sadd.s32 $0x500, s9;
	[sflag:s10] =	ssyncset.done $0x0  }
.LBB2_2:
0x27: {  	s22 =	sshra.s32 s20, $0x2  }
0x28: {  	[sflag:s10] =	ssyncadd.s32 $0xFFFFD800;
	s20 =	smov.u32 s21;
	s23 =	sadd.s32 $0x200, s21  }
0x29: {  	[tilespmem:s13], [sflag:$0x1] =	stream.indirect.gather [hbm4b:s1+s12], $0x80, s22, s12, $0xb8;
	[tilespmem:$0xD000] =	vst v63  }
0x2a: {  	p0 =	sne.s32 s21, $0xF800;
	s21 =	sadd.s32 $0x4000, s22  }
0x2b: {  	[tilespmem:s14], [sflag:$0x2] =	stream.indirect.gather [hbm4b:s2+s12], $0x80, s21, s12, $0xb8;
	[tilespmem:$0xD000] =	vst v63  }
0x2c: {  	_ =	swait.ge [sflag:s15], $0x2800  }
0x2d: {  	[sflag:s15] =	ssyncset.done $0x0  }
0x2e: {  	[sflag:s15] =	ssyncadd.s32 $0xFFFFD800  }
0x2f: {  	_ =	swait.ge [sflag:s16], $0x2800  }
0x30: {  	[sflag:s16] =	ssyncset.done $0x0  }
0x31: {  	[sflag:s16] =	ssyncadd.s32 $0xFFFFD800  }
0x32: {  	[hbm4b:s19+s4] =	stream.linear.scatter [tilespmem:s13], [sflag:$0x3], $0x2800, $0x38;
	[tilespmem:$0xD000] =	vst v63  }
0x33: {  	_ =	swait.ge [sflag:s10], $0x2800  }
.Ltmp0:
0x34: {  	[sflag:s10] =	ssyncset.done $0x0;
	(pc) =	sbr.rel @p0 .LBB2_2-.Ltmp0, $4  }
0x35: {  	[sflag:s10] =	ssyncadd.s32 $0xFFFFD800  }
0x36: {  	[hbm4b:s18+s4] =	stream.linear.scatter [tilespmem:s14], [sflag:$0x3], $0x2800, $0x38;
	[tilespmem:$0xD000] =	vst v63  }
0x37: {  	s21 =	smov.u32 s23;
	_ =	swait.ge [sflag:s10], $0x2800  }
0x38: {  	s19 =	sadd.s32 $0x500, s19;
	s18 =	sadd.s32 $0x500, s18;
	[sflag:s10] =	ssyncset.done $0x0  }
0x39: {  	s20 =	sshra.s32 s20, $0x2;
	[sflag:s10] =	ssyncadd.s32 $0xFFFFD800  }
0x3a: {  	[tilespmem:s13], [sflag:$0x1] =	stream.indirect.gather [hbm4b:s1+s12], $0x80, s20, s12, $0xb8;
	[tilespmem:$0xD000] =	vst v63  }
0x3b: {  	s20 =	sadd.s32 $0x4000, s20  }
0x3c: {  	[tilespmem:s14], [sflag:$0x2] =	stream.indirect.gather [hbm4b:s2+s12], $0x80, s20, s12, $0xb8;
	[tilespmem:$0xD000] =	vst v63  }
0x3d: {  	_ =	swait.ge [sflag:s15], $0x2800  }
0x3e: {  	[sflag:s15] =	ssyncset.done $0x0  }
0x3f: {  	[sflag:s15] =	ssyncadd.s32 $0xFFFFD800  }
0x40: {  	_ =	swait.ge [sflag:s16], $0x2800  }
0x41: {  	[sflag:s16] =	ssyncset.done $0x0  }
0x42: {  	[sflag:s16] =	ssyncadd.s32 $0xFFFFD800  }
0x43: {  	[hbm4b:s19+s4] =	stream.linear.scatter [tilespmem:s13], [sflag:$0x3], $0x2800, $0x38;
	[tilespmem:$0xD000] =	vst v63  }
0x44: {  	s17 =	sadd.s32 $0x1, s17;
	_ =	swait.ge [sflag:s10], $0x2800  }
0x45: {  	p0 =	sne.s32 s17, s7;
	[sflag:s10] =	ssyncset.done $0x0  }
.Ltmp1:
0x46: {  	[sflag:s10] =	ssyncadd.s32 $0xFFFFD800;
	(pc) =	sbr.rel @p0 .LBB2_1-.Ltmp1, $4  }
0x47: {  	[hbm4b:s18+s4] =	stream.linear.scatter [tilespmem:s14], [sflag:$0x3], $0x2800, $0x38;
	[tilespmem:$0xD000] =	vst v63  }
0x48: {  	_ =	swait.ge [sflag:s10], $0x2800  }
0x49: {  	[sflag:s10] =	ssyncset.done $0x0  }
0x4a: {  	[sflag:s10] =	ssyncadd.s32 $0xFFFFD800  }
0x4b: {  	_ =	sfence.sel $0x180000  }
0x4c: {  	[bflag:$0x0] =	sbarrier.arrive $0xFFFF  }
0x4d: {  	p0 =	sne.s32 s3, $0x0;
	_ =	strace $0x90000047  }
0x4e: {  	s0 =	sadd.s32 @!p0 $0x100000, s0;
	[bflag:$0x2] =	sbarrier.arrive $0xFFFF  }
0x4f: {  	[sflag:s0] =	ssyncadd.tile.s32 @!p0 $0x1;
	_ =	shalt  }
.Lfunc_end2:
_tile_overlayer_lowered:
.L_overlay_start_2:
0x50: {  	(tag) =	ssettag $0x2  }
0x51: {  	s0 =	rddreg [dreg:$0x0];
	s2 =	stileid.u32  }
0x52: {  	s1 =	rddreg [dreg:$0x1];
	p0 =	sne.s32 s2, $0x0  }
0x53: {  	s3 =	rddreg [dreg:$0x2];
	[bflag:$0x3] =	sbarrier.arrive $0xFFFF;
	s2 =	simm.s32 @!p0 $0x1C03  }
0x54: {  	[timem:s3], [sflag:s2] =	dma.local @!p0 [hbm:s0], s1  }
0x55: {  	s0 =	simm.s32 @!p0 $0x3  }
0x56: {  	_ =	swait.ge @!p0 [sflag:s0], s1  }
0x57: {  	s1 =	ssub.s32 @!p0 $0x0, s1;
	[sflag:s0] =	ssyncset.done @!p0 $0x0  }
0x58: {  	[sflag:s0] =	ssyncadd.s32 @!p0 s1  }
0x59: {  	[bflag:$0x3] =	sbarrier.arrive $0xFFFF  }
0x5a: {  	_ =	shalt  }

</sc_bundles>
